<compile_context>
chip_gen: v7x
topology: tpu7x:2x2x1
jax: 0.10.2.dev20260603
libtpu: 0.0.44.dev20260713+nightly
codegen_flags: <defaults>
</compile_context>

<pallas_src>
import functools

import jax
import jax.numpy as jnp
from jax import lax
from jax.experimental import pallas as pl
from jax.experimental.pallas import tpu as pltpu
from jax.experimental.pallas import tpu_sc as plsc

_N = 10000
_D = 256
_E = 160000
_H = 128
_NTILE = 16
_CHUNK = 128
_NCHUNK = 79
_EPT = _NCHUNK * _CHUNK
_EP = _NTILE * _EPT
_AVEC = _EPT // 16
_CROW = 640
_NPAD = 10240
_ZROWS = _NPAD
_STRIPE = _NPAD // _NTILE
_RBLK = 1024


def _sc_mesh():
    return plsc.VectorSubcoreMesh(core_axis_name="c", subcore_axis_name="s")


_SC_PARAMS = pltpu.CompilerParams(needs_layout_passes=False)


def _deg_body(dst_hbm, out_hbm, idx_v, cnt_v):
    c = lax.axis_index("c")
    s = lax.axis_index("s")
    pltpu.sync_copy(dst_hbm.at[c, s], idx_v)
    zeros = jnp.zeros((16,), jnp.float32)

    def zloop(j, car):
        cnt_v[pl.ds(j * 16, 16)] = zeros
        return car

    lax.fori_loop(0, _NPAD // 16, zloop, 0)
    ones = jnp.ones((16,), jnp.float32)

    def aloop(j, car):
        plsc.addupdate_scatter(cnt_v, [idx_v[pl.ds(j * 16, 16)]], ones)
        return car

    lax.fori_loop(0, _EPT // 16, aloop, 0)
    pltpu.sync_copy(cnt_v, out_hbm.at[c, s])


def _run_deg(dst_a):
    k = functools.partial(
        pl.kernel,
        out_type=jax.ShapeDtypeStruct((2, _NTILE, _NPAD), jnp.float32),
        mesh=_sc_mesh(),
        scratch_types=[
            pltpu.VMEM((_EPT,), jnp.int32),
            pltpu.VMEM((_NPAD,), jnp.float32),
        ],
        compiler_params=_SC_PARAMS,
    )(_deg_body)
    return k(dst_a)


def _scatter_body(y0l, y0r, y1l, y1r, s0, d0, s1, d1,
                  z0l, z0r, z1l, z1r, srcv, dstv, rows, zsp, sem):
    c = lax.axis_index("c")
    s = lax.axis_index("s")
    base = s * _STRIPE

    def run(y, z):
        pltpu.sync_copy(y.at[pl.ds(base, _STRIPE)], zsp.at[pl.ds(base, _STRIPE)])
        plsc.subcore_barrier()

        def chunk(j, car):
            pltpu.async_copy(y.at[srcv.at[j]], rows, sem).wait()
            pltpu.sync_copy(rows, zsp.at[dstv.at[j]], add=True)
            return car

        lax.fori_loop(0, _NCHUNK, chunk, 0)
        plsc.subcore_barrier()
        pltpu.sync_copy(zsp.at[pl.ds(base, _STRIPE)], z.at[pl.ds(base, _STRIPE)])
        plsc.subcore_barrier()

    for (s_r, d_r, yl, yr, zl, zr) in (
        (s0, d0, y0l, y0r, z0l, z0r),
        (s1, d1, y1l, y1r, z1l, z1r),
    ):
        pltpu.sync_copy(s_r.at[s], srcv)
        pltpu.sync_copy(d_r.at[s], dstv)
        pl.when(c == 0)(functools.partial(run, yl, zl))
        pl.when(c == 1)(functools.partial(run, yr, zr))


def _run_scatter(y0l, y0r, y1l, y1r, s0, d0, s1, d1):
    zt = jax.ShapeDtypeStruct((_NPAD, _H), jnp.float32)
    k = functools.partial(
        pl.kernel,
        out_type=(zt, zt, zt, zt),
        mesh=_sc_mesh(),
        scratch_types=[
            pltpu.VMEM((_NCHUNK, _CHUNK), jnp.int32),
            pltpu.VMEM((_NCHUNK, _CHUNK), jnp.int32),
            pltpu.VMEM((_CHUNK, _H), jnp.float32),
            pltpu.VMEM_SHARED((_ZROWS, _H), jnp.float32),
            pltpu.SemaphoreType.DMA,
        ],
        compiler_params=_SC_PARAMS,
    )(_scatter_body)
    return k(y0l, y0r, y1l, y1r, s0, d0, s1, d1)


def _xw_body(h_ref, w0_ref, w1_ref, cnt_ref,
             y0l_ref, y0r_ref, y1l_ref, y1r_ref):
    deg = jnp.sum(cnt_ref[...], axis=1) + 1.0
    dis = lax.rsqrt(deg)
    h = h_ref[...]
    for k, (w_ref, yl, yr) in enumerate(
        ((w0_ref, y0l_ref, y0r_ref), (w1_ref, y1l_ref, y1r_ref))
    ):
        y = jnp.dot(h, w_ref[...], preferred_element_type=jnp.float32)
        y = y * dis[k][:, None]
        yl[...] = y[:, :_H]
        yr[...] = y[:, _H:]


def _run_xw(h_p, w0, w1, cnts):
    grid = _NPAD // _RBLK
    yt = jax.ShapeDtypeStruct((_NPAD, _H), jnp.float32)
    return pl.pallas_call(
        _xw_body,
        grid=(grid,),
        in_specs=[
            pl.BlockSpec((_RBLK, _D), lambda i: (i, 0)),
            pl.BlockSpec((_D, _D), lambda i: (0, 0)),
            pl.BlockSpec((_D, _D), lambda i: (0, 0)),
            pl.BlockSpec((2, _NTILE, _RBLK), lambda i: (0, 0, i)),
        ],
        out_specs=[pl.BlockSpec((_RBLK, _H), lambda i: (i, 0))] * 4,
        out_shape=[yt] * 4,
    )(h_p, w0, w1, cnts)


def _combine_body(z0l_ref, z0r_ref, z1l_ref, z1r_ref, cnt_ref, gate_ref,
                  b0_ref, b1_ref, out_ref):
    deg = jnp.sum(cnt_ref[...], axis=1) + 1.0
    dis = lax.rsqrt(deg)
    g = gate_ref[...]
    z0 = jnp.concatenate([z0l_ref[...], z0r_ref[...]], axis=1)
    z1 = jnp.concatenate([z1l_ref[...], z1r_ref[...]], axis=1)
    h0 = jnp.maximum(dis[0][:, None] * z0 + b0_ref[...], 0.0)
    h1 = jnp.maximum(dis[1][:, None] * z1 + b1_ref[...], 0.0)
    out_ref[...] = g[:, 0:1] * h0 + g[:, 1:2] * h1


def _run_combine(z0l, z0r, z1l, z1r, cnts, gate_p, b0, b1):
    grid = _NPAD // _RBLK
    return pl.pallas_call(
        _combine_body,
        grid=(grid,),
        in_specs=[
            pl.BlockSpec((_RBLK, _H), lambda i: (i, 0)),
            pl.BlockSpec((_RBLK, _H), lambda i: (i, 0)),
            pl.BlockSpec((_RBLK, _H), lambda i: (i, 0)),
            pl.BlockSpec((_RBLK, _H), lambda i: (i, 0)),
            pl.BlockSpec((2, _NTILE, _RBLK), lambda i: (0, 0, i)),
            pl.BlockSpec((_RBLK, 2), lambda i: (i, 0)),
            pl.BlockSpec((1, _D), lambda i: (0, 0)),
            pl.BlockSpec((1, _D), lambda i: (0, 0)),
        ],
        out_specs=pl.BlockSpec((_RBLK, _D), lambda i: (i, 0)),
        out_shape=jax.ShapeDtypeStruct((_NPAD, _D), jnp.float32),
    )(z0l, z0r, z1l, z1r, cnts, gate_p, b0, b1)


def kernel(h_edge, khop_edge_index_0, khop_edge_index_1, gate, W0, b0, W1, b1):
    npad = _EP - _E
    src_pad = jnp.zeros((npad,), jnp.int32)
    dst_pad = jnp.full((npad,), _N, jnp.int32)

    def prep(ei):
        src = jnp.concatenate([ei[0].astype(jnp.int32), src_pad])
        dst = jnp.concatenate([ei[1].astype(jnp.int32), dst_pad])
        return src, dst

    src0, dst0 = prep(khop_edge_index_0)
    src1, dst1 = prep(khop_edge_index_1)

    dst_a = jnp.stack([dst0.reshape(_NTILE, _EPT),
                       dst1.reshape(_NTILE, _EPT)])
    cnts = _run_deg(dst_a)

    h_p = jnp.pad(h_edge, ((0, _NPAD - _N), (0, 0)))
    y0l, y0r, y1l, y1r = _run_xw(h_p, W0, W1, cnts)

    s0r = src0.reshape(_NTILE, _NCHUNK, _CHUNK)
    d0r = dst0.reshape(_NTILE, _NCHUNK, _CHUNK)
    s1r = src1.reshape(_NTILE, _NCHUNK, _CHUNK)
    d1r = dst1.reshape(_NTILE, _NCHUNK, _CHUNK)
    z0l, z0r, z1l, z1r = _run_scatter(y0l, y0r, y1l, y1r, s0r, d0r, s1r, d1r)

    gate_p = jnp.pad(gate, ((0, _NPAD - _N), (0, 0)))
    out = _run_combine(z0l, z0r, z1l, z1r, cnts, gate_p,
                       b0.reshape(1, _D), b1.reshape(1, _D))
    return out[:_N]

# --- scband reference (transcript-rebuilt; emitter-appended) ---
"""Pipeline reference for scband-fog-layer-82824149336365 (READ-ONLY COPY).

The authoritative reference and input builder live on the scoring server;
editing this copy changes nothing except your own understanding.
"""

import jax, jax.numpy as jnp
import numpy as np

N = 10000
D = 256
E = 160000


def gcn_conv(x, edge_index, W, b):
    num_nodes = x.shape[0]
    src = edge_index[0]
    dst = edge_index[1]
    loop = jnp.arange(num_nodes, dtype=src.dtype)
    src = jnp.concatenate([src, loop])
    dst = jnp.concatenate([dst, loop])
    deg = jnp.zeros((num_nodes,), dtype=x.dtype).at[dst].add(1.0)
    deg_inv_sqrt = jnp.where(deg > 0, deg ** -0.5, 0.0)
    norm = deg_inv_sqrt[src] * deg_inv_sqrt[dst]
    xw = x @ W
    msg = xw[src] * norm[:, None]
    out = jnp.zeros_like(xw).at[dst].add(msg)
    return out + b


def setup_inputs(seed: int = 0) -> dict:
    key = jax.random.key(seed)
    k1, k2, k3, k4, k5, k6, k7, k8 = jax.random.split(key, 8)
    h_edge = jax.random.normal(k1, (N, D), dtype=jnp.float32)
    khop_edge_index_0 = jax.random.randint(k2, (2, E), 0, N, dtype=jnp.int64)
    khop_edge_index_1 = jax.random.randint(k3, (2, E), 0, N, dtype=jnp.int64)
    gate = jax.random.uniform(k4, (N, 2), dtype=jnp.float32)
    W0 = jax.random.normal(k5, (D, D), dtype=jnp.float32) * 0.05
    b0 = jnp.zeros((D,), dtype=jnp.float32)
    W1 = jax.random.normal(k6, (D, D), dtype=jnp.float32) * 0.05
    b1 = jnp.zeros((D,), dtype=jnp.float32)
    return {"h_edge": h_edge, "khop_edge_index_0": khop_edge_index_0, "khop_edge_index_1": khop_edge_index_1, "gate": gate, "W0": W0, "b0": b0, "W1": W1, "b1": b1}


def reference(h_edge, khop_edge_index_0, khop_edge_index_1, gate, W0, b0, W1, b1):
    # FogLayer forward (eval mode: dropout is identity)
    out = jnp.zeros_like(h_edge)
    h0 = jax.nn.relu(gcn_conv(h_edge, khop_edge_index_0, W0, b0))
    out = out + gate[:, 0:1] * h0
    h1 = jax.nn.relu(gcn_conv(h_edge, khop_edge_index_1, W1, b1))
    out = out + gate[:, 1:2] * h1
    return out

if __name__ == "__main__":
    import jax
    _d = setup_inputs()
    print(jax.jit(kernel)(*tuple(_d.values())))

</pallas_src>

<mosaic_0001>
#map = affine_map<(d0, d1) -> (0, 0, 0)>
module attributes {stable_mosaic.version = 14 : i64} {
  func.func @_deg_body(%arg0: i32, %arg1: i32, %arg2: memref<2x16x10112xi32, #tpu.memory_space<hbm>>, %arg3: memref<2x16x10240xf32, #tpu.memory_space<hbm>>, %arg4: memref<10112xi32, #tpu.memory_space<vmem>>, %arg5: memref<10240xf32, #tpu.memory_space<vmem>>) attributes {dimension_semantics = [#tpu.dimension_semantics<core_parallel>, #tpu.dimension_semantics<subcore_parallel>], iteration_bounds = array<i64: 2, 16>, scalar_prefetch = 0 : i64, scratch_operands = 2 : i64, tpu.core_type = #tpu.core_type<sc_vector_subcore>, window_params = [{transform_indices = #map}, {transform_indices = #map}]} {
    "tpu.region"() ({
      %run_scoped3A = tpu.sem_alloc : memref<!tpu.dma_semaphore, #tpu.memory_space<semaphore_mem>>
      %dma_start3A = arith.constant 0 : i32
      %dma_start3A_14 = tpu.memref_slice %arg2[%arg0, %arg1, %dma_start3A] : memref<2x16x10112xi32, #tpu.memory_space<hbm>> -> memref<1x1x10112xi32, #tpu.memory_space<hbm>>
      %dma_start3A_15 = tpu.memref_squeeze %dma_start3A_14 : memref<1x1x10112xi32, #tpu.memory_space<hbm>> -> memref<10112xi32, #tpu.memory_space<hbm>>
      %dma_start3A_16 = arith.constant 0 : i32
      %dma_start3A_17 = tpu.memref_slice %arg2[%arg0, %arg1, %dma_start3A_16] : memref<2x16x10112xi32, #tpu.memory_space<hbm>> -> memref<1x1x10112xi32, #tpu.memory_space<hbm>>
      %dma_start3A_18 = tpu.memref_squeeze %dma_start3A_17 : memref<1x1x10112xi32, #tpu.memory_space<hbm>> -> memref<10112xi32, #tpu.memory_space<hbm>>
      tpu.enqueue_dma source(%dma_start3A_18 : memref<10112xi32, #tpu.memory_space<hbm>>) target(%arg4 : memref<10112xi32, #tpu.memory_space<vmem>>) target_semaphore(%run_scoped3A : memref<!tpu.dma_semaphore, #tpu.memory_space<semaphore_mem>>)
      %dma_wait3A = arith.constant 0 : i32
      %dma_wait3A_19 = tpu.memref_slice %arg2[%arg0, %arg1, %dma_wait3A] : memref<2x16x10112xi32, #tpu.memory_space<hbm>> -> memref<1x1x10112xi32, #tpu.memory_space<hbm>>
      %dma_wait3A_20 = tpu.memref_squeeze %dma_wait3A_19 : memref<1x1x10112xi32, #tpu.memory_space<hbm>> -> memref<10112xi32, #tpu.memory_space<hbm>>
      %dma_wait3A_21 = arith.constant 0 : i32
      %dma_wait3A_22 = tpu.memref_slice %arg2[%arg0, %arg1, %dma_wait3A_21] : memref<2x16x10112xi32, #tpu.memory_space<hbm>> -> memref<1x1x10112xi32, #tpu.memory_space<hbm>>
      %dma_wait3A_23 = tpu.memref_squeeze %dma_wait3A_22 : memref<1x1x10112xi32, #tpu.memory_space<hbm>> -> memref<10112xi32, #tpu.memory_space<hbm>>
      tpu.wait_dma2 semaphore(%run_scoped3A : memref<!tpu.dma_semaphore, #tpu.memory_space<semaphore_mem>>) src(%dma_wait3A_23 : memref<10112xi32, #tpu.memory_space<hbm>>) dst(%arg4 : memref<10112xi32, #tpu.memory_space<vmem>>)
      tpu.yield
    }) : () -> ()
    %broadcast_in_dim3A = arith.constant 0.000000e+00 : f32
    %broadcast_in_dim3A_0 = vector.broadcast %broadcast_in_dim3A : f32 to vector<16xf32>
    %scan3A = arith.constant 0 : i32
    %scan3A_1 = arith.constant 0 : i32
    %scan3A_2 = arith.constant 640 : i32
    %scan3A_3 = arith.addi %scan3A_1, %scan3A_2 : i32
    %scan3A_4 = arith.constant 1 : i32
    scf.for %scan3A_14 = %scan3A_1 to %scan3A_3 step %scan3A_4  : i32 {
      %mul3A = arith.constant 16 : i32
      %mul3A_15 = arith.muli %scan3A_14, %mul3A : i32
      %swap3A = arith.index_cast %mul3A_15 : i32 to index
      %swap3A_16 = tpu.vector_load %arg5[%swap3A] {strides = array<i32>} : memref<10240xf32, #tpu.memory_space<vmem>>, vector<16xf32>,
      tpu.vector_store %arg5[%swap3A], %broadcast_in_dim3A_0 {strides = array<i32>} : memref<10240xf32, #tpu.memory_space<vmem>>, vector<16xf32>,
    }
    %scan3A_5 = arith.constant 640 : i32
    %broadcast_in_dim3A_6 = arith.constant 1.000000e+00 : f32
    %broadcast_in_dim3A_7 = vector.broadcast %broadcast_in_dim3A_6 : f32 to vector<16xf32>
    %scan3A_8 = arith.constant 0 : i32
    %scan3A_9 = arith.constant 0 : i32
    %scan3A_10 = arith.constant 632 : i32
    %scan3A_11 = arith.addi %scan3A_9, %scan3A_10 : i32
    %scan3A_12 = arith.constant 1 : i32
    scf.for %scan3A_14 = %scan3A_9 to %scan3A_11 step %scan3A_12  : i32 {
      %mul3A = arith.constant 16 : i32
      %mul3A_15 = arith.muli %scan3A_14, %mul3A : i32
      %get3A = arith.index_cast %mul3A_15 : i32 to index
      %get3A_16 = tpu.vector_load %arg4[%get3A] {strides = array<i32>} : memref<10112xi32, #tpu.memory_space<vmem>>, vector<16xi32>,
      tpu.vector_store_idx %arg5[%get3A_16], %broadcast_in_dim3A_7 {add = true} : memref<10240xf32, #tpu.memory_space<vmem>>[vector<16xi32>], vector<16xf32>,
    }
    %scan3A_13 = arith.constant 632 : i32
    "tpu.region"() ({
      %run_scoped3A = tpu.sem_alloc : memref<!tpu.dma_semaphore, #tpu.memory_space<semaphore_mem>>
      %dma_start3A = arith.constant 0 : i32
      %dma_start3A_14 = tpu.memref_slice %arg3[%arg0, %arg1, %dma_start3A] : memref<2x16x10240xf32, #tpu.memory_space<hbm>> -> memref<1x1x10240xf32, #tpu.memory_space<hbm>>
      %dma_start3A_15 = tpu.memref_squeeze %dma_start3A_14 : memref<1x1x10240xf32, #tpu.memory_space<hbm>> -> memref<10240xf32, #tpu.memory_space<hbm>>
      %dma_start3A_16 = arith.constant 0 : i32
      %dma_start3A_17 = tpu.memref_slice %arg3[%arg0, %arg1, %dma_start3A_16] : memref<2x16x10240xf32, #tpu.memory_space<hbm>> -> memref<1x1x10240xf32, #tpu.memory_space<hbm>>
      %dma_start3A_18 = tpu.memref_squeeze %dma_start3A_17 : memref<1x1x10240xf32, #tpu.memory_space<hbm>> -> memref<10240xf32, #tpu.memory_space<hbm>>
      tpu.enqueue_dma source(%arg5 : memref<10240xf32, #tpu.memory_space<vmem>>) target(%dma_start3A_18 : memref<10240xf32, #tpu.memory_space<hbm>>) target_semaphore(%run_scoped3A : memref<!tpu.dma_semaphore, #tpu.memory_space<semaphore_mem>>)
      %dma_wait3A = arith.constant 0 : i32
      %dma_wait3A_19 = tpu.memref_slice %arg3[%arg0, %arg1, %dma_wait3A] : memref<2x16x10240xf32, #tpu.memory_space<hbm>> -> memref<1x1x10240xf32, #tpu.memory_space<hbm>>
      %dma_wait3A_20 = tpu.memref_squeeze %dma_wait3A_19 : memref<1x1x10240xf32, #tpu.memory_space<hbm>> -> memref<10240xf32, #tpu.memory_space<hbm>>
      %dma_wait3A_21 = arith.constant 0 : i32
      %dma_wait3A_22 = tpu.memref_slice %arg3[%arg0, %arg1, %dma_wait3A_21] : memref<2x16x10240xf32, #tpu.memory_space<hbm>> -> memref<1x1x10240xf32, #tpu.memory_space<hbm>>
      %dma_wait3A_23 = tpu.memref_squeeze %dma_wait3A_22 : memref<1x1x10240xf32, #tpu.memory_space<hbm>> -> memref<10240xf32, #tpu.memory_space<hbm>>
      tpu.wait_dma2 semaphore(%run_scoped3A : memref<!tpu.dma_semaphore, #tpu.memory_space<semaphore_mem>>) src(%arg5 : memref<10240xf32, #tpu.memory_space<vmem>>) dst(%dma_wait3A_23 : memref<10240xf32, #tpu.memory_space<hbm>>)
      tpu.yield
    }) : () -> ()
    return
  }
}

#map = affine_map<(d0, d1) -> (0, 0)>
#map1 = affine_map<(d0, d1) -> (0, 0, 0)>
module attributes {stable_mosaic.version = 14 : i64} {
  func.func @_scatter_body(%arg0: i32, %arg1: i32, %arg2: memref<10240x128xf32, #tpu.memory_space<hbm>>, %arg3: memref<10240x128xf32, #tpu.memory_space<hbm>>, %arg4: memref<10240x128xf32, #tpu.memory_space<hbm>>, %arg5: memref<10240x128xf32, #tpu.memory_space<hbm>>, %arg6: memref<16x79x128xi32, #tpu.memory_space<hbm>>, %arg7: memref<16x79x128xi32, #tpu.memory_space<hbm>>, %arg8: memref<16x79x128xi32, #tpu.memory_space<hbm>>, %arg9: memref<16x79x128xi32, #tpu.memory_space<hbm>>, %arg10: memref<10240x128xf32, #tpu.memory_space<hbm>>, %arg11: memref<10240x128xf32, #tpu.memory_space<hbm>>, %arg12: memref<10240x128xf32, #tpu.memory_space<hbm>>, %arg13: memref<10240x128xf32, #tpu.memory_space<hbm>>, %arg14: memref<79x128xi32, #tpu.memory_space<vmem>>, %arg15: memref<79x128xi32, #tpu.memory_space<vmem>>, %arg16: memref<128x128xf32, #tpu.memory_space<vmem>>, %arg17: memref<10240x128xf32, #tpu.memory_space<vmem_shared>>, %arg18: memref<!tpu.dma_semaphore, #tpu.memory_space<semaphore_mem>>) attributes {dimension_semantics = [#tpu.dimension_semantics<core_parallel>, #tpu.dimension_semantics<subcore_parallel>], iteration_bounds = array<i64: 2, 16>, scalar_prefetch = 0 : i64, scratch_operands = 5 : i64, tpu.core_type = #tpu.core_type<sc_vector_subcore>, window_params = [{transform_indices = #map}, {transform_indices = #map}, {transform_indices = #map}, {transform_indices = #map}, {transform_indices = #map1}, {transform_indices = #map1}, {transform_indices = #map1}, {transform_indices = #map1}, {transform_indices = #map}, {transform_indices = #map}, {transform_indices = #map}, {transform_indices = #map}]} {
    %mul3A = arith.constant 640 : i32
    %mul3A_0 = arith.muli %arg1, %mul3A : i32
    "tpu.region"() ({
      %run_scoped3A = tpu.sem_alloc : memref<!tpu.dma_semaphore, #tpu.memory_space<semaphore_mem>>
      %dma_start3A = arith.constant 0 : i32
      %dma_start3A_18 = arith.constant 0 : i32
      %dma_start3A_19 = tpu.memref_slice %arg6[%arg1, %dma_start3A, %dma_start3A_18] : memref<16x79x128xi32, #tpu.memory_space<hbm>> -> memref<1x79x128xi32, #tpu.memory_space<hbm>>
      %dma_start3A_20 = tpu.memref_squeeze %dma_start3A_19 : memref<1x79x128xi32, #tpu.memory_space<hbm>> -> memref<79x128xi32, #tpu.memory_space<hbm>>
      %dma_start3A_21 = arith.constant 0 : i32
      %dma_start3A_22 = arith.constant 0 : i32
      %dma_start3A_23 = tpu.memref_slice %arg6[%arg1, %dma_start3A_21, %dma_start3A_22] : memref<16x79x128xi32, #tpu.memory_space<hbm>> -> memref<1x79x128xi32, #tpu.memory_space<hbm>>
      %dma_start3A_24 = tpu.memref_squeeze %dma_start3A_23 : memref<1x79x128xi32, #tpu.memory_space<hbm>> -> memref<79x128xi32, #tpu.memory_space<hbm>>
      tpu.enqueue_dma source(%dma_start3A_24 : memref<79x128xi32, #tpu.memory_space<hbm>>) target(%arg14 : memref<79x128xi32, #tpu.memory_space<vmem>>) target_semaphore(%run_scoped3A : memref<!tpu.dma_semaphore, #tpu.memory_space<semaphore_mem>>)
      %dma_wait3A = arith.constant 0 : i32
      %dma_wait3A_25 = arith.constant 0 : i32
      %dma_wait3A_26 = tpu.memref_slice %arg6[%arg1, %dma_wait3A, %dma_wait3A_25] : memref<16x79x128xi32, #tpu.memory_space<hbm>> -> memref<1x79x128xi32, #tpu.memory_space<hbm>>
      %dma_wait3A_27 = tpu.memref_squeeze %dma_wait3A_26 : memref<1x79x128xi32, #tpu.memory_space<hbm>> -> memref<79x128xi32, #tpu.memory_space<hbm>>
      %dma_wait3A_28 = arith.constant 0 : i32
      %dma_wait3A_29 = arith.constant 0 : i32
      %dma_wait3A_30 = tpu.memref_slice %arg6[%arg1, %dma_wait3A_28, %dma_wait3A_29] : memref<16x79x128xi32, #tpu.memory_space<hbm>> -> memref<1x79x128xi32, #tpu.memory_space<hbm>>
      %dma_wait3A_31 = tpu.memref_squeeze %dma_wait3A_30 : memref<1x79x128xi32, #tpu.memory_space<hbm>> -> memref<79x128xi32, #tpu.memory_space<hbm>>
      tpu.wait_dma2 semaphore(%run_scoped3A : memref<!tpu.dma_semaphore, #tpu.memory_space<semaphore_mem>>) src(%dma_wait3A_31 : memref<79x128xi32, #tpu.memory_space<hbm>>) dst(%arg14 : memref<79x128xi32, #tpu.memory_space<vmem>>)
      tpu.yield
    }) : () -> ()
    "tpu.region"() ({
      %run_scoped3A = tpu.sem_alloc : memref<!tpu.dma_semaphore, #tpu.memory_space<semaphore_mem>>
      %dma_start3A = arith.constant 0 : i32
      %dma_start3A_18 = arith.constant 0 : i32
      %dma_start3A_19 = tpu.memref_slice %arg7[%arg1, %dma_start3A, %dma_start3A_18] : memref<16x79x128xi32, #tpu.memory_space<hbm>> -> memref<1x79x128xi32, #tpu.memory_space<hbm>>
      %dma_start3A_20 = tpu.memref_squeeze %dma_start3A_19 : memref<1x79x128xi32, #tpu.memory_space<hbm>> -> memref<79x128xi32, #tpu.memory_space<hbm>>
      %dma_start3A_21 = arith.constant 0 : i32
      %dma_start3A_22 = arith.constant 0 : i32
      %dma_start3A_23 = tpu.memref_slice %arg7[%arg1, %dma_start3A_21, %dma_start3A_22] : memref<16x79x128xi32, #tpu.memory_space<hbm>> -> memref<1x79x128xi32, #tpu.memory_space<hbm>>
      %dma_start3A_24 = tpu.memref_squeeze %dma_start3A_23 : memref<1x79x128xi32, #tpu.memory_space<hbm>> -> memref<79x128xi32, #tpu.memory_space<hbm>>
      tpu.enqueue_dma source(%dma_start3A_24 : memref<79x128xi32, #tpu.memory_space<hbm>>) target(%arg15 : memref<79x128xi32, #tpu.memory_space<vmem>>) target_semaphore(%run_scoped3A : memref<!tpu.dma_semaphore, #tpu.memory_space<semaphore_mem>>)
      %dma_wait3A = arith.constant 0 : i32
      %dma_wait3A_25 = arith.constant 0 : i32
      %dma_wait3A_26 = tpu.memref_slice %arg7[%arg1, %dma_wait3A, %dma_wait3A_25] : memref<16x79x128xi32, #tpu.memory_space<hbm>> -> memref<1x79x128xi32, #tpu.memory_space<hbm>>
      %dma_wait3A_27 = tpu.memref_squeeze %dma_wait3A_26 : memref<1x79x128xi32, #tpu.memory_space<hbm>> -> memref<79x128xi32, #tpu.memory_space<hbm>>
      %dma_wait3A_28 = arith.constant 0 : i32
      %dma_wait3A_29 = arith.constant 0 : i32
      %dma_wait3A_30 = tpu.memref_slice %arg7[%arg1, %dma_wait3A_28, %dma_wait3A_29] : memref<16x79x128xi32, #tpu.memory_space<hbm>> -> memref<1x79x128xi32, #tpu.memory_space<hbm>>
      %dma_wait3A_31 = tpu.memref_squeeze %dma_wait3A_30 : memref<1x79x128xi32, #tpu.memory_space<hbm>> -> memref<79x128xi32, #tpu.memory_space<hbm>>
      tpu.wait_dma2 semaphore(%run_scoped3A : memref<!tpu.dma_semaphore, #tpu.memory_space<semaphore_mem>>) src(%dma_wait3A_31 : memref<79x128xi32, #tpu.memory_space<hbm>>) dst(%arg15 : memref<79x128xi32, #tpu.memory_space<vmem>>)
      tpu.yield
    }) : () -> ()
    %eq3A = arith.constant 0 : i32
    %eq3A_1 = arith.cmpi eq, %arg0, %eq3A : i32
    %convert_element_type3A = arith.extui %eq3A_1 : i1 to i32
    %cond3A = arith.constant 0 : i32
    %cond3A_2 = arith.cmpi ne, %convert_element_type3A, %cond3A : i32
    scf.if %cond3A_2 {
      "tpu.region"() ({
        %run_scoped3A = tpu.sem_alloc : memref<!tpu.dma_semaphore, #tpu.memory_space<semaphore_mem>>
        %dma_start3A = arith.constant 0 : i32
        %dma_start3A_25 = tpu.memref_slice %arg17[%mul3A_0, %dma_start3A] : memref<10240x128xf32, #tpu.memory_space<vmem_shared>> -> memref<640x128xf32, #tpu.memory_space<vmem_shared>>
        %dma_start3A_26 = arith.constant 0 : i32
        %dma_start3A_27 = tpu.memref_slice %arg2[%mul3A_0, %dma_start3A_26] : memref<10240x128xf32, #tpu.memory_space<hbm>> -> memref<640x128xf32, #tpu.memory_space<hbm>>
        tpu.enqueue_dma source(%dma_start3A_27 : memref<640x128xf32, #tpu.memory_space<hbm>>) target(%dma_start3A_25 : memref<640x128xf32, #tpu.memory_space<vmem_shared>>) target_semaphore(%run_scoped3A : memref<!tpu.dma_semaphore, #tpu.memory_space<semaphore_mem>>)
        %dma_wait3A = arith.constant 0 : i32
        %dma_wait3A_28 = tpu.memref_slice %arg17[%mul3A_0, %dma_wait3A] : memref<10240x128xf32, #tpu.memory_space<vmem_shared>> -> memref<640x128xf32, #tpu.memory_space<vmem_shared>>
        %dma_wait3A_29 = arith.constant 0 : i32
        %dma_wait3A_30 = tpu.memref_slice %arg2[%mul3A_0, %dma_wait3A_29] : memref<10240x128xf32, #tpu.memory_space<hbm>> -> memref<640x128xf32, #tpu.memory_space<hbm>>
        tpu.wait_dma2 semaphore(%run_scoped3A : memref<!tpu.dma_semaphore, #tpu.memory_space<semaphore_mem>>) src(%dma_wait3A_30 : memref<640x128xf32, #tpu.memory_space<hbm>>) dst(%dma_wait3A_28 : memref<640x128xf32, #tpu.memory_space<vmem_shared>>)
        tpu.yield
      }) : () -> ()
      %barrier3A = arith.constant 0 : index
      tpu.barrier barrier_id(%barrier3A)
      %scan3A = arith.constant 0 : i32
      %scan3A_18 = arith.constant 0 : i32
      %scan3A_19 = arith.constant 79 : i32
      %scan3A_20 = arith.addi %scan3A_18, %scan3A_19 : i32
      %scan3A_21 = arith.constant 1 : i32
      scf.for %scan3A_25 = %scan3A_18 to %scan3A_20 step %scan3A_21  : i32 {
        %dma_start3A = arith.constant 0 : i32
        %dma_start3A_26 = tpu.memref_slice %arg14[%scan3A_25, %dma_start3A] : memref<79x128xi32, #tpu.memory_space<vmem>> -> memref<1x128xi32, #tpu.memory_space<vmem>>
        %dma_start3A_27 = tpu.memref_squeeze %dma_start3A_26 : memref<1x128xi32, #tpu.memory_space<vmem>> -> memref<128xi32, #tpu.memory_space<vmem>>
        %dma_start3A_28 = arith.constant 0 : i32
        %dma_start3A_29 = arith.constant 0 : i32
        %dma_start3A_30 = tpu.memref_slice %arg2[%dma_start3A_28, %dma_start3A_29] : memref<10240x128xf32, #tpu.memory_space<hbm>> -> memref<10240x128xf32, #tpu.memory_space<hbm>>
        tpu.enqueue_indirect_dma source(%dma_start3A_30 : memref<10240x128xf32, #tpu.memory_space<hbm>>) target(%arg16 : memref<128x128xf32, #tpu.memory_space<vmem>>) offsets(%dma_start3A_27 : memref<128xi32, #tpu.memory_space<vmem>>) semaphore(%arg18 : memref<!tpu.dma_semaphore, #tpu.memory_space<semaphore_mem>>)
        %dma_wait3A = arith.constant 0 : i32
        %dma_wait3A_31 = tpu.memref_slice %arg14[%scan3A_25, %dma_wait3A] : memref<79x128xi32, #tpu.memory_space<vmem>> -> memref<1x128xi32, #tpu.memory_space<vmem>>
        %dma_wait3A_32 = tpu.memref_squeeze %dma_wait3A_31 : memref<1x128xi32, #tpu.memory_space<vmem>> -> memref<128xi32, #tpu.memory_space<vmem>>
        %dma_wait3A_33 = arith.constant 0 : i32
        %dma_wait3A_34 = arith.constant 0 : i32
        %dma_wait3A_35 = tpu.memref_slice %arg2[%dma_wait3A_33, %dma_wait3A_34] : memref<10240x128xf32, #tpu.memory_space<hbm>> -> memref<10240x128xf32, #tpu.memory_space<hbm>>
        tpu.wait_indirect_dma semaphore(%arg18 : memref<!tpu.dma_semaphore, #tpu.memory_space<semaphore_mem>>) src(%dma_wait3A_35 : memref<10240x128xf32, #tpu.memory_space<hbm>>) dst(%arg16 : memref<128x128xf32, #tpu.memory_space<vmem>>)
        "tpu.region"() ({
          %run_scoped3A = tpu.sem_alloc : memref<!tpu.dma_semaphore, #tpu.memory_space<semaphore_mem>>
          %dma_start3A_36 = arith.constant 0 : i32
          %dma_start3A_37 = tpu.memref_slice %arg15[%scan3A_25, %dma_start3A_36] : memref<79x128xi32, #tpu.memory_space<vmem>> -> memref<1x128xi32, #tpu.memory_space<vmem>>
          %dma_start3A_38 = tpu.memref_squeeze %dma_start3A_37 : memref<1x128xi32, #tpu.memory_space<vmem>> -> memref<128xi32, #tpu.memory_space<vmem>>
          %dma_start3A_39 = arith.constant 0 : i32
          %dma_start3A_40 = arith.constant 0 : i32
          %dma_start3A_41 = tpu.memref_slice %arg17[%dma_start3A_39, %dma_start3A_40] : memref<10240x128xf32, #tpu.memory_space<vmem_shared>> -> memref<10240x128xf32, #tpu.memory_space<vmem_shared>>
          tpu.enqueue_indirect_dma source(%arg16 : memref<128x128xf32, #tpu.memory_space<vmem>>) target(%dma_start3A_41 : memref<10240x128xf32, #tpu.memory_space<vmem_shared>>) offsets(%dma_start3A_38 : memref<128xi32, #tpu.memory_space<vmem>>) semaphore(%run_scoped3A : memref<!tpu.dma_semaphore, #tpu.memory_space<semaphore_mem>>) {add = true}
          %dma_wait3A_42 = arith.constant 0 : i32
          %dma_wait3A_43 = tpu.memref_slice %arg15[%scan3A_25, %dma_wait3A_42] : memref<79x128xi32, #tpu.memory_space<vmem>> -> memref<1x128xi32, #tpu.memory_space<vmem>>
          %dma_wait3A_44 = tpu.memref_squeeze %dma_wait3A_43 : memref<1x128xi32, #tpu.memory_space<vmem>> -> memref<128xi32, #tpu.memory_space<vmem>>
          %dma_wait3A_45 = arith.constant 0 : i32
          %dma_wait3A_46 = arith.constant 0 : i32
          %dma_wait3A_47 = tpu.memref_slice %arg17[%dma_wait3A_45, %dma_wait3A_46] : memref<10240x128xf32, #tpu.memory_space<vmem_shared>> -> memref<10240x128xf32, #tpu.memory_space<vmem_shared>>
          tpu.wait_indirect_dma semaphore(%run_scoped3A : memref<!tpu.dma_semaphore, #tpu.memory_space<semaphore_mem>>) src(%arg16 : memref<128x128xf32, #tpu.memory_space<vmem>>) dst(%dma_wait3A_47 : memref<10240x128xf32, #tpu.memory_space<vmem_shared>>)
          tpu.yield
        }) : () -> ()
      }
      %scan3A_22 = arith.constant 79 : i32
      %barrier3A_23 = arith.constant 0 : index
      tpu.barrier barrier_id(%barrier3A_23)
      "tpu.region"() ({
        %run_scoped3A = tpu.sem_alloc : memref<!tpu.dma_semaphore, #tpu.memory_space<semaphore_mem>>
        %dma_start3A = arith.constant 0 : i32
        %dma_start3A_25 = tpu.memref_slice %arg10[%mul3A_0, %dma_start3A] : memref<10240x128xf32, #tpu.memory_space<hbm>> -> memref<640x128xf32, #tpu.memory_space<hbm>>
        %dma_start3A_26 = arith.constant 0 : i32
        %dma_start3A_27 = tpu.memref_slice %arg17[%mul3A_0, %dma_start3A_26] : memref<10240x128xf32, #tpu.memory_space<vmem_shared>> -> memref<640x128xf32, #tpu.memory_space<vmem_shared>>
        tpu.enqueue_dma source(%dma_start3A_27 : memref<640x128xf32, #tpu.memory_space<vmem_shared>>) target(%dma_start3A_25 : memref<640x128xf32, #tpu.memory_space<hbm>>) target_semaphore(%run_scoped3A : memref<!tpu.dma_semaphore, #tpu.memory_space<semaphore_mem>>)
        %dma_wait3A = arith.constant 0 : i32
        %dma_wait3A_28 = tpu.memref_slice %arg10[%mul3A_0, %dma_wait3A] : memref<10240x128xf32, #tpu.memory_space<hbm>> -> memref<640x128xf32, #tpu.memory_space<hbm>>
        %dma_wait3A_29 = arith.constant 0 : i32
        %dma_wait3A_30 = tpu.memref_slice %arg17[%mul3A_0, %dma_wait3A_29] : memref<10240x128xf32, #tpu.memory_space<vmem_shared>> -> memref<640x128xf32, #tpu.memory_space<vmem_shared>>
        tpu.wait_dma2 semaphore(%run_scoped3A : memref<!tpu.dma_semaphore, #tpu.memory_space<semaphore_mem>>) src(%dma_wait3A_30 : memref<640x128xf32, #tpu.memory_space<vmem_shared>>) dst(%dma_wait3A_28 : memref<640x128xf32, #tpu.memory_space<hbm>>)
        tpu.yield
      }) : () -> ()
      %barrier3A_24 = arith.constant 0 : index
      tpu.barrier barrier_id(%barrier3A_24)
    } else {
    }
    %eq3A_3 = arith.constant 1 : i32
    %eq3A_4 = arith.cmpi eq, %arg0, %eq3A_3 : i32
    %convert_element_type3A_5 = arith.extui %eq3A_4 : i1 to i32
    %cond3A_6 = arith.constant 0 : i32
    %cond3A_7 = arith.cmpi ne, %convert_element_type3A_5, %cond3A_6 : i32
    scf.if %cond3A_7 {
      "tpu.region"() ({
        %run_scoped3A = tpu.sem_alloc : memref<!tpu.dma_semaphore, #tpu.memory_space<semaphore_mem>>
        %dma_start3A = arith.constant 0 : i32
        %dma_start3A_25 = tpu.memref_slice %arg17[%mul3A_0, %dma_start3A] : memref<10240x128xf32, #tpu.memory_space<vmem_shared>> -> memref<640x128xf32, #tpu.memory_space<vmem_shared>>
        %dma_start3A_26 = arith.constant 0 : i32
        %dma_start3A_27 = tpu.memref_slice %arg3[%mul3A_0, %dma_start3A_26] : memref<10240x128xf32, #tpu.memory_space<hbm>> -> memref<640x128xf32, #tpu.memory_space<hbm>>
        tpu.enqueue_dma source(%dma_start3A_27 : memref<640x128xf32, #tpu.memory_space<hbm>>) target(%dma_start3A_25 : memref<640x128xf32, #tpu.memory_space<vmem_shared>>) target_semaphore(%run_scoped3A : memref<!tpu.dma_semaphore, #tpu.memory_space<semaphore_mem>>)
        %dma_wait3A = arith.constant 0 : i32
        %dma_wait3A_28 = tpu.memref_slice %arg17[%mul3A_0, %dma_wait3A] : memref<10240x128xf32, #tpu.memory_space<vmem_shared>> -> memref<640x128xf32, #tpu.memory_space<vmem_shared>>
        %dma_wait3A_29 = arith.constant 0 : i32
        %dma_wait3A_30 = tpu.memref_slice %arg3[%mul3A_0, %dma_wait3A_29] : memref<10240x128xf32, #tpu.memory_space<hbm>> -> memref<640x128xf32, #tpu.memory_space<hbm>>
        tpu.wait_dma2 semaphore(%run_scoped3A : memref<!tpu.dma_semaphore, #tpu.memory_space<semaphore_mem>>) src(%dma_wait3A_30 : memref<640x128xf32, #tpu.memory_space<hbm>>) dst(%dma_wait3A_28 : memref<640x128xf32, #tpu.memory_space<vmem_shared>>)
        tpu.yield
      }) : () -> ()
      %barrier3A = arith.constant 0 : index
      tpu.barrier barrier_id(%barrier3A)
      %scan3A = arith.constant 0 : i32
      %scan3A_18 = arith.constant 0 : i32
      %scan3A_19 = arith.constant 79 : i32
      %scan3A_20 = arith.addi %scan3A_18, %scan3A_19 : i32
      %scan3A_21 = arith.constant 1 : i32
      scf.for %scan3A_25 = %scan3A_18 to %scan3A_20 step %scan3A_21  : i32 {
        %dma_start3A = arith.constant 0 : i32
        %dma_start3A_26 = tpu.memref_slice %arg14[%scan3A_25, %dma_start3A] : memref<79x128xi32, #tpu.memory_space<vmem>> -> memref<1x128xi32, #tpu.memory_space<vmem>>
        %dma_start3A_27 = tpu.memref_squeeze %dma_start3A_26 : memref<1x128xi32, #tpu.memory_space<vmem>> -> memref<128xi32, #tpu.memory_space<vmem>>
        %dma_start3A_28 = arith.constant 0 : i32
        %dma_start3A_29 = arith.constant 0 : i32
        %dma_start3A_30 = tpu.memref_slice %arg3[%dma_start3A_28, %dma_start3A_29] : memref<10240x128xf32, #tpu.memory_space<hbm>> -> memref<10240x128xf32, #tpu.memory_space<hbm>>
        tpu.enqueue_indirect_dma source(%dma_start3A_30 : memref<10240x128xf32, #tpu.memory_space<hbm>>) target(%arg16 : memref<128x128xf32, #tpu.memory_space<vmem>>) offsets(%dma_start3A_27 : memref<128xi32, #tpu.memory_space<vmem>>) semaphore(%arg18 : memref<!tpu.dma_semaphore, #tpu.memory_space<semaphore_mem>>)
        %dma_wait3A = arith.constant 0 : i32
        %dma_wait3A_31 = tpu.memref_slice %arg14[%scan3A_25, %dma_wait3A] : memref<79x128xi32, #tpu.memory_space<vmem>> -> memref<1x128xi32, #tpu.memory_space<vmem>>
        %dma_wait3A_32 = tpu.memref_squeeze %dma_wait3A_31 : memref<1x128xi32, #tpu.memory_space<vmem>> -> memref<128xi32, #tpu.memory_space<vmem>>
        %dma_wait3A_33 = arith.constant 0 : i32
        %dma_wait3A_34 = arith.constant 0 : i32
        %dma_wait3A_35 = tpu.memref_slice %arg3[%dma_wait3A_33, %dma_wait3A_34] : memref<10240x128xf32, #tpu.memory_space<hbm>> -> memref<10240x128xf32, #tpu.memory_space<hbm>>
        tpu.wait_indirect_dma semaphore(%arg18 : memref<!tpu.dma_semaphore, #tpu.memory_space<semaphore_mem>>) src(%dma_wait3A_35 : memref<10240x128xf32, #tpu.memory_space<hbm>>) dst(%arg16 : memref<128x128xf32, #tpu.memory_space<vmem>>)
        "tpu.region"() ({
          %run_scoped3A = tpu.sem_alloc : memref<!tpu.dma_semaphore, #tpu.memory_space<semaphore_mem>>
          %dma_start3A_36 = arith.constant 0 : i32
          %dma_start3A_37 = tpu.memref_slice %arg15[%scan3A_25, %dma_start3A_36] : memref<79x128xi32, #tpu.memory_space<vmem>> -> memref<1x128xi32, #tpu.memory_space<vmem>>
          %dma_start3A_38 = tpu.memref_squeeze %dma_start3A_37 : memref<1x128xi32, #tpu.memory_space<vmem>> -> memref<128xi32, #tpu.memory_space<vmem>>
          %dma_start3A_39 = arith.constant 0 : i32
          %dma_start3A_40 = arith.constant 0 : i32
          %dma_start3A_41 = tpu.memref_slice %arg17[%dma_start3A_39, %dma_start3A_40] : memref<10240x128xf32, #tpu.memory_space<vmem_shared>> -> memref<10240x128xf32, #tpu.memory_space<vmem_shared>>
          tpu.enqueue_indirect_dma source(%arg16 : memref<128x128xf32, #tpu.memory_space<vmem>>) target(%dma_start3A_41 : memref<10240x128xf32, #tpu.memory_space<vmem_shared>>) offsets(%dma_start3A_38 : memref<128xi32, #tpu.memory_space<vmem>>) semaphore(%run_scoped3A : memref<!tpu.dma_semaphore, #tpu.memory_space<semaphore_mem>>) {add = true}
          %dma_wait3A_42 = arith.constant 0 : i32
          %dma_wait3A_43 = tpu.memref_slice %arg15[%scan3A_25, %dma_wait3A_42] : memref<79x128xi32, #tpu.memory_space<vmem>> -> memref<1x128xi32, #tpu.memory_space<vmem>>
          %dma_wait3A_44 = tpu.memref_squeeze %dma_wait3A_43 : memref<1x128xi32, #tpu.memory_space<vmem>> -> memref<128xi32, #tpu.memory_space<vmem>>
          %dma_wait3A_45 = arith.constant 0 : i32
          %dma_wait3A_46 = arith.constant 0 : i32
          %dma_wait3A_47 = tpu.memref_slice %arg17[%dma_wait3A_45, %dma_wait3A_46] : memref<10240x128xf32, #tpu.memory_space<vmem_shared>> -> memref<10240x128xf32, #tpu.memory_space<vmem_shared>>
          tpu.wait_indirect_dma semaphore(%run_scoped3A : memref<!tpu.dma_semaphore, #tpu.memory_space<semaphore_mem>>) src(%arg16 : memref<128x128xf32, #tpu.memory_space<vmem>>) dst(%dma_wait3A_47 : memref<10240x128xf32, #tpu.memory_space<vmem_shared>>)
          tpu.yield
        }) : () -> ()
      }
      %scan3A_22 = arith.constant 79 : i32
      %barrier3A_23 = arith.constant 0 : index
      tpu.barrier barrier_id(%barrier3A_23)
      "tpu.region"() ({
        %run_scoped3A = tpu.sem_alloc : memref<!tpu.dma_semaphore, #tpu.memory_space<semaphore_mem>>
        %dma_start3A = arith.constant 0 : i32
        %dma_start3A_25 = tpu.memref_slice %arg11[%mul3A_0, %dma_start3A] : memref<10240x128xf32, #tpu.memory_space<hbm>> -> memref<640x128xf32, #tpu.memory_space<hbm>>
        %dma_start3A_26 = arith.constant 0 : i32
        %dma_start3A_27 = tpu.memref_slice %arg17[%mul3A_0, %dma_start3A_26] : memref<10240x128xf32, #tpu.memory_space<vmem_shared>> -> memref<640x128xf32, #tpu.memory_space<vmem_shared>>
        tpu.enqueue_dma source(%dma_start3A_27 : memref<640x128xf32, #tpu.memory_space<vmem_shared>>) target(%dma_start3A_25 : memref<640x128xf32, #tpu.memory_space<hbm>>) target_semaphore(%run_scoped3A : memref<!tpu.dma_semaphore, #tpu.memory_space<semaphore_mem>>)
        %dma_wait3A = arith.constant 0 : i32
        %dma_wait3A_28 = tpu.memref_slice %arg11[%mul3A_0, %dma_wait3A] : memref<10240x128xf32, #tpu.memory_space<hbm>> -> memref<640x128xf32, #tpu.memory_space<hbm>>
        %dma_wait3A_29 = arith.constant 0 : i32
        %dma_wait3A_30 = tpu.memref_slice %arg17[%mul3A_0, %dma_wait3A_29] : memref<10240x128xf32, #tpu.memory_space<vmem_shared>> -> memref<640x128xf32, #tpu.memory_space<vmem_shared>>
        tpu.wait_dma2 semaphore(%run_scoped3A : memref<!tpu.dma_semaphore, #tpu.memory_space<semaphore_mem>>) src(%dma_wait3A_30 : memref<640x128xf32, #tpu.memory_space<vmem_shared>>) dst(%dma_wait3A_28 : memref<640x128xf32, #tpu.memory_space<hbm>>)
        tpu.yield
      }) : () -> ()
      %barrier3A_24 = arith.constant 0 : index
      tpu.barrier barrier_id(%barrier3A_24)
    } else {
    }
    "tpu.region"() ({
      %run_scoped3A = tpu.sem_alloc : memref<!tpu.dma_semaphore, #tpu.memory_space<semaphore_mem>>
      %dma_start3A = arith.constant 0 : i32
      %dma_start3A_18 = arith.constant 0 : i32
      %dma_start3A_19 = tpu.memref_slice %arg8[%arg1, %dma_start3A, %dma_start3A_18] : memref<16x79x128xi32, #tpu.memory_space<hbm>> -> memref<1x79x128xi32, #tpu.memory_space<hbm>>
      %dma_start3A_20 = tpu.memref_squeeze %dma_start3A_19 : memref<1x79x128xi32, #tpu.memory_space<hbm>> -> memref<79x128xi32, #tpu.memory_space<hbm>>
      %dma_start3A_21 = arith.constant 0 : i32
      %dma_start3A_22 = arith.constant 0 : i32
      %dma_start3A_23 = tpu.memref_slice %arg8[%arg1, %dma_start3A_21, %dma_start3A_22] : memref<16x79x128xi32, #tpu.memory_space<hbm>> -> memref<1x79x128xi32, #tpu.memory_space<hbm>>
      %dma_start3A_24 = tpu.memref_squeeze %dma_start3A_23 : memref<1x79x128xi32, #tpu.memory_space<hbm>> -> memref<79x128xi32, #tpu.memory_space<hbm>>
      tpu.enqueue_dma source(%dma_start3A_24 : memref<79x128xi32, #tpu.memory_space<hbm>>) target(%arg14 : memref<79x128xi32, #tpu.memory_space<vmem>>) target_semaphore(%run_scoped3A : memref<!tpu.dma_semaphore, #tpu.memory_space<semaphore_mem>>)
      %dma_wait3A = arith.constant 0 : i32
      %dma_wait3A_25 = arith.constant 0 : i32
      %dma_wait3A_26 = tpu.memref_slice %arg8[%arg1, %dma_wait3A, %dma_wait3A_25] : memref<16x79x128xi32, #tpu.memory_space<hbm>> -> memref<1x79x128xi32, #tpu.memory_space<hbm>>
      %dma_wait3A_27 = tpu.memref_squeeze %dma_wait3A_26 : memref<1x79x128xi32, #tpu.memory_space<hbm>> -> memref<79x128xi32, #tpu.memory_space<hbm>>
      %dma_wait3A_28 = arith.constant 0 : i32
      %dma_wait3A_29 = arith.constant 0 : i32
      %dma_wait3A_30 = tpu.memref_slice %arg8[%arg1, %dma_wait3A_28, %dma_wait3A_29] : memref<16x79x128xi32, #tpu.memory_space<hbm>> -> memref<1x79x128xi32, #tpu.memory_space<hbm>>
      %dma_wait3A_31 = tpu.memref_squeeze %dma_wait3A_30 : memref<1x79x128xi32, #tpu.memory_space<hbm>> -> memref<79x128xi32, #tpu.memory_space<hbm>>
      tpu.wait_dma2 semaphore(%run_scoped3A : memref<!tpu.dma_semaphore, #tpu.memory_space<semaphore_mem>>) src(%dma_wait3A_31 : memref<79x128xi32, #tpu.memory_space<hbm>>) dst(%arg14 : memref<79x128xi32, #tpu.memory_space<vmem>>)
      tpu.yield
    }) : () -> ()
    "tpu.region"() ({
      %run_scoped3A = tpu.sem_alloc : memref<!tpu.dma_semaphore, #tpu.memory_space<semaphore_mem>>
      %dma_start3A = arith.constant 0 : i32
      %dma_start3A_18 = arith.constant 0 : i32
      %dma_start3A_19 = tpu.memref_slice %arg9[%arg1, %dma_start3A, %dma_start3A_18] : memref<16x79x128xi32, #tpu.memory_space<hbm>> -> memref<1x79x128xi32, #tpu.memory_space<hbm>>
      %dma_start3A_20 = tpu.memref_squeeze %dma_start3A_19 : memref<1x79x128xi32, #tpu.memory_space<hbm>> -> memref<79x128xi32, #tpu.memory_space<hbm>>
      %dma_start3A_21 = arith.constant 0 : i32
      %dma_start3A_22 = arith.constant 0 : i32
      %dma_start3A_23 = tpu.memref_slice %arg9[%arg1, %dma_start3A_21, %dma_start3A_22] : memref<16x79x128xi32, #tpu.memory_space<hbm>> -> memref<1x79x128xi32, #tpu.memory_space<hbm>>
      %dma_start3A_24 = tpu.memref_squeeze %dma_start3A_23 : memref<1x79x128xi32, #tpu.memory_space<hbm>> -> memref<79x128xi32, #tpu.memory_space<hbm>>
      tpu.enqueue_dma source(%dma_start3A_24 : memref<79x128xi32, #tpu.memory_space<hbm>>) target(%arg15 : memref<79x128xi32, #tpu.memory_space<vmem>>) target_semaphore(%run_scoped3A : memref<!tpu.dma_semaphore, #tpu.memory_space<semaphore_mem>>)
      %dma_wait3A = arith.constant 0 : i32
      %dma_wait3A_25 = arith.constant 0 : i32
      %dma_wait3A_26 = tpu.memref_slice %arg9[%arg1, %dma_wait3A, %dma_wait3A_25] : memref<16x79x128xi32, #tpu.memory_space<hbm>> -> memref<1x79x128xi32, #tpu.memory_space<hbm>>
      %dma_wait3A_27 = tpu.memref_squeeze %dma_wait3A_26 : memref<1x79x128xi32, #tpu.memory_space<hbm>> -> memref<79x128xi32, #tpu.memory_space<hbm>>
      %dma_wait3A_28 = arith.constant 0 : i32
      %dma_wait3A_29 = arith.constant 0 : i32
      %dma_wait3A_30 = tpu.memref_slice %arg9[%arg1, %dma_wait3A_28, %dma_wait3A_29] : memref<16x79x128xi32, #tpu.memory_space<hbm>> -> memref<1x79x128xi32, #tpu.memory_space<hbm>>
      %dma_wait3A_31 = tpu.memref_squeeze %dma_wait3A_30 : memref<1x79x128xi32, #tpu.memory_space<hbm>> -> memref<79x128xi32, #tpu.memory_space<hbm>>
      tpu.wait_dma2 semaphore(%run_scoped3A : memref<!tpu.dma_semaphore, #tpu.memory_space<semaphore_mem>>) src(%dma_wait3A_31 : memref<79x128xi32, #tpu.memory_space<hbm>>) dst(%arg15 : memref<79x128xi32, #tpu.memory_space<vmem>>)
      tpu.yield
    }) : () -> ()
    %eq3A_8 = arith.constant 0 : i32
    %eq3A_9 = arith.cmpi eq, %arg0, %eq3A_8 : i32
    %convert_element_type3A_10 = arith.extui %eq3A_9 : i1 to i32
    %cond3A_11 = arith.constant 0 : i32
    %cond3A_12 = arith.cmpi ne, %convert_element_type3A_10, %cond3A_11 : i32
    scf.if %cond3A_12 {
      "tpu.region"() ({
        %run_scoped3A = tpu.sem_alloc : memref<!tpu.dma_semaphore, #tpu.memory_space<semaphore_mem>>
        %dma_start3A = arith.constant 0 : i32
        %dma_start3A_25 = tpu.memref_slice %arg17[%mul3A_0, %dma_start3A] : memref<10240x128xf32, #tpu.memory_space<vmem_shared>> -> memref<640x128xf32, #tpu.memory_space<vmem_shared>>
        %dma_start3A_26 = arith.constant 0 : i32
        %dma_start3A_27 = tpu.memref_slice %arg4[%mul3A_0, %dma_start3A_26] : memref<10240x128xf32, #tpu.memory_space<hbm>> -> memref<640x128xf32, #tpu.memory_space<hbm>>
        tpu.enqueue_dma source(%dma_start3A_27 : memref<640x128xf32, #tpu.memory_space<hbm>>) target(%dma_start3A_25 : memref<640x128xf32, #tpu.memory_space<vmem_shared>>) target_semaphore(%run_scoped3A : memref<!tpu.dma_semaphore, #tpu.memory_space<semaphore_mem>>)
        %dma_wait3A = arith.constant 0 : i32
        %dma_wait3A_28 = tpu.memref_slice %arg17[%mul3A_0, %dma_wait3A] : memref<10240x128xf32, #tpu.memory_space<vmem_shared>> -> memref<640x128xf32, #tpu.memory_space<vmem_shared>>
        %dma_wait3A_29 = arith.constant 0 : i32
        %dma_wait3A_30 = tpu.memref_slice %arg4[%mul3A_0, %dma_wait3A_29] : memref<10240x128xf32, #tpu.memory_space<hbm>> -> memref<640x128xf32, #tpu.memory_space<hbm>>
        tpu.wait_dma2 semaphore(%run_scoped3A : memref<!tpu.dma_semaphore, #tpu.memory_space<semaphore_mem>>) src(%dma_wait3A_30 : memref<640x128xf32, #tpu.memory_space<hbm>>) dst(%dma_wait3A_28 : memref<640x128xf32, #tpu.memory_space<vmem_shared>>)
        tpu.yield
      }) : () -> ()
      %barrier3A = arith.constant 0 : index
      tpu.barrier barrier_id(%barrier3A)
      %scan3A = arith.constant 0 : i32
      %scan3A_18 = arith.constant 0 : i32
      %scan3A_19 = arith.constant 79 : i32
      %scan3A_20 = arith.addi %scan3A_18, %scan3A_19 : i32
      %scan3A_21 = arith.constant 1 : i32
      scf.for %scan3A_25 = %scan3A_18 to %scan3A_20 step %scan3A_21  : i32 {
        %dma_start3A = arith.constant 0 : i32
        %dma_start3A_26 = tpu.memref_slice %arg14[%scan3A_25, %dma_start3A] : memref<79x128xi32, #tpu.memory_space<vmem>> -> memref<1x128xi32, #tpu.memory_space<vmem>>
        %dma_start3A_27 = tpu.memref_squeeze %dma_start3A_26 : memref<1x128xi32, #tpu.memory_space<vmem>> -> memref<128xi32, #tpu.memory_space<vmem>>
        %dma_start3A_28 = arith.constant 0 : i32
        %dma_start3A_29 = arith.constant 0 : i32
        %dma_start3A_30 = tpu.memref_slice %arg4[%dma_start3A_28, %dma_start3A_29] : memref<10240x128xf32, #tpu.memory_space<hbm>> -> memref<10240x128xf32, #tpu.memory_space<hbm>>
        tpu.enqueue_indirect_dma source(%dma_start3A_30 : memref<10240x128xf32, #tpu.memory_space<hbm>>) target(%arg16 : memref<128x128xf32, #tpu.memory_space<vmem>>) offsets(%dma_start3A_27 : memref<128xi32, #tpu.memory_space<vmem>>) semaphore(%arg18 : memref<!tpu.dma_semaphore, #tpu.memory_space<semaphore_mem>>)
        %dma_wait3A = arith.constant 0 : i32
        %dma_wait3A_31 = tpu.memref_slice %arg14[%scan3A_25, %dma_wait3A] : memref<79x128xi32, #tpu.memory_space<vmem>> -> memref<1x128xi32, #tpu.memory_space<vmem>>
        %dma_wait3A_32 = tpu.memref_squeeze %dma_wait3A_31 : memref<1x128xi32, #tpu.memory_space<vmem>> -> memref<128xi32, #tpu.memory_space<vmem>>
        %dma_wait3A_33 = arith.constant 0 : i32
        %dma_wait3A_34 = arith.constant 0 : i32
        %dma_wait3A_35 = tpu.memref_slice %arg4[%dma_wait3A_33, %dma_wait3A_34] : memref<10240x128xf32, #tpu.memory_space<hbm>> -> memref<10240x128xf32, #tpu.memory_space<hbm>>
        tpu.wait_indirect_dma semaphore(%arg18 : memref<!tpu.dma_semaphore, #tpu.memory_space<semaphore_mem>>) src(%dma_wait3A_35 : memref<10240x128xf32, #tpu.memory_space<hbm>>) dst(%arg16 : memref<128x128xf32, #tpu.memory_space<vmem>>)
        "tpu.region"() ({
          %run_scoped3A = tpu.sem_alloc : memref<!tpu.dma_semaphore, #tpu.memory_space<semaphore_mem>>
          %dma_start3A_36 = arith.constant 0 : i32
          %dma_start3A_37 = tpu.memref_slice %arg15[%scan3A_25, %dma_start3A_36] : memref<79x128xi32, #tpu.memory_space<vmem>> -> memref<1x128xi32, #tpu.memory_space<vmem>>
          %dma_start3A_38 = tpu.memref_squeeze %dma_start3A_37 : memref<1x128xi32, #tpu.memory_space<vmem>> -> memref<128xi32, #tpu.memory_space<vmem>>
          %dma_start3A_39 = arith.constant 0 : i32
          %dma_start3A_40 = arith.constant 0 : i32
          %dma_start3A_41 = tpu.memref_slice %arg17[%dma_start3A_39, %dma_start3A_40] : memref<10240x128xf32, #tpu.memory_space<vmem_shared>> -> memref<10240x128xf32, #tpu.memory_space<vmem_shared>>
          tpu.enqueue_indirect_dma source(%arg16 : memref<128x128xf32, #tpu.memory_space<vmem>>) target(%dma_start3A_41 : memref<10240x128xf32, #tpu.memory_space<vmem_shared>>) offsets(%dma_start3A_38 : memref<128xi32, #tpu.memory_space<vmem>>) semaphore(%run_scoped3A : memref<!tpu.dma_semaphore, #tpu.memory_space<semaphore_mem>>) {add = true}
          %dma_wait3A_42 = arith.constant 0 : i32
          %dma_wait3A_43 = tpu.memref_slice %arg15[%scan3A_25, %dma_wait3A_42] : memref<79x128xi32, #tpu.memory_space<vmem>> -> memref<1x128xi32, #tpu.memory_space<vmem>>
          %dma_wait3A_44 = tpu.memref_squeeze %dma_wait3A_43 : memref<1x128xi32, #tpu.memory_space<vmem>> -> memref<128xi32, #tpu.memory_space<vmem>>
          %dma_wait3A_45 = arith.constant 0 : i32
          %dma_wait3A_46 = arith.constant 0 : i32
          %dma_wait3A_47 = tpu.memref_slice %arg17[%dma_wait3A_45, %dma_wait3A_46] : memref<10240x128xf32, #tpu.memory_space<vmem_shared>> -> memref<10240x128xf32, #tpu.memory_space<vmem_shared>>
          tpu.wait_indirect_dma semaphore(%run_scoped3A : memref<!tpu.dma_semaphore, #tpu.memory_space<semaphore_mem>>) src(%arg16 : memref<128x128xf32, #tpu.memory_space<vmem>>) dst(%dma_wait3A_47 : memref<10240x128xf32, #tpu.memory_space<vmem_shared>>)
          tpu.yield
        }) : () -> ()
      }
      %scan3A_22 = arith.constant 79 : i32
      %barrier3A_23 = arith.constant 0 : index
      tpu.barrier barrier_id(%barrier3A_23)
      "tpu.region"() ({
        %run_scoped3A = tpu.sem_alloc : memref<!tpu.dma_semaphore, #tpu.memory_space<semaphore_mem>>
        %dma_start3A = arith.constant 0 : i32
        %dma_start3A_25 = tpu.memref_slice %arg12[%mul3A_0, %dma_start3A] : memref<10240x128xf32, #tpu.memory_space<hbm>> -> memref<640x128xf32, #tpu.memory_space<hbm>>
        %dma_start3A_26 = arith.constant 0 : i32
        %dma_start3A_27 = tpu.memref_slice %arg17[%mul3A_0, %dma_start3A_26] : memref<10240x128xf32, #tpu.memory_space<vmem_shared>> -> memref<640x128xf32, #tpu.memory_space<vmem_shared>>
        tpu.enqueue_dma source(%dma_start3A_27 : memref<640x128xf32, #tpu.memory_space<vmem_shared>>) target(%dma_start3A_25 : memref<640x128xf32, #tpu.memory_space<hbm>>) target_semaphore(%run_scoped3A : memref<!tpu.dma_semaphore, #tpu.memory_space<semaphore_mem>>)
        %dma_wait3A = arith.constant 0 : i32
        %dma_wait3A_28 = tpu.memref_slice %arg12[%mul3A_0, %dma_wait3A] : memref<10240x128xf32, #tpu.memory_space<hbm>> -> memref<640x128xf32, #tpu.memory_space<hbm>>
        %dma_wait3A_29 = arith.constant 0 : i32
        %dma_wait3A_30 = tpu.memref_slice %arg17[%mul3A_0, %dma_wait3A_29] : memref<10240x128xf32, #tpu.memory_space<vmem_shared>> -> memref<640x128xf32, #tpu.memory_space<vmem_shared>>
        tpu.wait_dma2 semaphore(%run_scoped3A : memref<!tpu.dma_semaphore, #tpu.memory_space<semaphore_mem>>) src(%dma_wait3A_30 : memref<640x128xf32, #tpu.memory_space<vmem_shared>>) dst(%dma_wait3A_28 : memref<640x128xf32, #tpu.memory_space<hbm>>)
        tpu.yield
      }) : () -> ()
      %barrier3A_24 = arith.constant 0 : index
      tpu.barrier barrier_id(%barrier3A_24)
    } else {
    }
    %eq3A_13 = arith.constant 1 : i32
    %eq3A_14 = arith.cmpi eq, %arg0, %eq3A_13 : i32
    %convert_element_type3A_15 = arith.extui %eq3A_14 : i1 to i32
    %cond3A_16 = arith.constant 0 : i32
    %cond3A_17 = arith.cmpi ne, %convert_element_type3A_15, %cond3A_16 : i32
    scf.if %cond3A_17 {
      "tpu.region"() ({
        %run_scoped3A = tpu.sem_alloc : memref<!tpu.dma_semaphore, #tpu.memory_space<semaphore_mem>>
        %dma_start3A = arith.constant 0 : i32
        %dma_start3A_25 = tpu.memref_slice %arg17[%mul3A_0, %dma_start3A] : memref<10240x128xf32, #tpu.memory_space<vmem_shared>> -> memref<640x128xf32, #tpu.memory_space<vmem_shared>>
        %dma_start3A_26 = arith.constant 0 : i32
        %dma_start3A_27 = tpu.memref_slice %arg5[%mul3A_0, %dma_start3A_26] : memref<10240x128xf32, #tpu.memory_space<hbm>> -> memref<640x128xf32, #tpu.memory_space<hbm>>
        tpu.enqueue_dma source(%dma_start3A_27 : memref<640x128xf32, #tpu.memory_space<hbm>>) target(%dma_start3A_25 : memref<640x128xf32, #tpu.memory_space<vmem_shared>>) target_semaphore(%run_scoped3A : memref<!tpu.dma_semaphore, #tpu.memory_space<semaphore_mem>>)
        %dma_wait3A = arith.constant 0 : i32
        %dma_wait3A_28 = tpu.memref_slice %arg17[%mul3A_0, %dma_wait3A] : memref<10240x128xf32, #tpu.memory_space<vmem_shared>> -> memref<640x128xf32, #tpu.memory_space<vmem_shared>>
        %dma_wait3A_29 = arith.constant 0 : i32
        %dma_wait3A_30 = tpu.memref_slice %arg5[%mul3A_0, %dma_wait3A_29] : memref<10240x128xf32, #tpu.memory_space<hbm>> -> memref<640x128xf32, #tpu.memory_space<hbm>>
        tpu.wait_dma2 semaphore(%run_scoped3A : memref<!tpu.dma_semaphore, #tpu.memory_space<semaphore_mem>>) src(%dma_wait3A_30 : memref<640x128xf32, #tpu.memory_space<hbm>>) dst(%dma_wait3A_28 : memref<640x128xf32, #tpu.memory_space<vmem_shared>>)
        tpu.yield
      }) : () -> ()
      %barrier3A = arith.constant 0 : index
      tpu.barrier barrier_id(%barrier3A)
      %scan3A = arith.constant 0 : i32
      %scan3A_18 = arith.constant 0 : i32
      %scan3A_19 = arith.constant 79 : i32
      %scan3A_20 = arith.addi %scan3A_18, %scan3A_19 : i32
      %scan3A_21 = arith.constant 1 : i32
      scf.for %scan3A_25 = %scan3A_18 to %scan3A_20 step %scan3A_21  : i32 {
        %dma_start3A = arith.constant 0 : i32
        %dma_start3A_26 = tpu.memref_slice %arg14[%scan3A_25, %dma_start3A] : memref<79x128xi32, #tpu.memory_space<vmem>> -> memref<1x128xi32, #tpu.memory_space<vmem>>
        %dma_start3A_27 = tpu.memref_squeeze %dma_start3A_26 : memref<1x128xi32, #tpu.memory_space<vmem>> -> memref<128xi32, #tpu.memory_space<vmem>>
        %dma_start3A_28 = arith.constant 0 : i32
        %dma_start3A_29 = arith.constant 0 : i32
        %dma_start3A_30 = tpu.memref_slice %arg5[%dma_start3A_28, %dma_start3A_29] : memref<10240x128xf32, #tpu.memory_space<hbm>> -> memref<10240x128xf32, #tpu.memory_space<hbm>>
        tpu.enqueue_indirect_dma source(%dma_start3A_30 : memref<10240x128xf32, #tpu.memory_space<hbm>>) target(%arg16 : memref<128x128xf32, #tpu.memory_space<vmem>>) offsets(%dma_start3A_27 : memref<128xi32, #tpu.memory_space<vmem>>) semaphore(%arg18 : memref<!tpu.dma_semaphore, #tpu.memory_space<semaphore_mem>>)
        %dma_wait3A = arith.constant 0 : i32
        %dma_wait3A_31 = tpu.memref_slice %arg14[%scan3A_25, %dma_wait3A] : memref<79x128xi32, #tpu.memory_space<vmem>> -> memref<1x128xi32, #tpu.memory_space<vmem>>
        %dma_wait3A_32 = tpu.memref_squeeze %dma_wait3A_31 : memref<1x128xi32, #tpu.memory_space<vmem>> -> memref<128xi32, #tpu.memory_space<vmem>>
        %dma_wait3A_33 = arith.constant 0 : i32
        %dma_wait3A_34 = arith.constant 0 : i32
        %dma_wait3A_35 = tpu.memref_slice %arg5[%dma_wait3A_33, %dma_wait3A_34] : memref<10240x128xf32, #tpu.memory_space<hbm>> -> memref<10240x128xf32, #tpu.memory_space<hbm>>
        tpu.wait_indirect_dma semaphore(%arg18 : memref<!tpu.dma_semaphore, #tpu.memory_space<semaphore_mem>>) src(%dma_wait3A_35 : memref<10240x128xf32, #tpu.memory_space<hbm>>) dst(%arg16 : memref<128x128xf32, #tpu.memory_space<vmem>>)
        "tpu.region"() ({
          %run_scoped3A = tpu.sem_alloc : memref<!tpu.dma_semaphore, #tpu.memory_space<semaphore_mem>>
          %dma_start3A_36 = arith.constant 0 : i32
          %dma_start3A_37 = tpu.memref_slice %arg15[%scan3A_25, %dma_start3A_36] : memref<79x128xi32, #tpu.memory_space<vmem>> -> memref<1x128xi32, #tpu.memory_space<vmem>>
          %dma_start3A_38 = tpu.memref_squeeze %dma_start3A_37 : memref<1x128xi32, #tpu.memory_space<vmem>> -> memref<128xi32, #tpu.memory_space<vmem>>
          %dma_start3A_39 = arith.constant 0 : i32
          %dma_start3A_40 = arith.constant 0 : i32
          %dma_start3A_41 = tpu.memref_slice %arg17[%dma_start3A_39, %dma_start3A_40] : memref<10240x128xf32, #tpu.memory_space<vmem_shared>> -> memref<10240x128xf32, #tpu.memory_space<vmem_shared>>
          tpu.enqueue_indirect_dma source(%arg16 : memref<128x128xf32, #tpu.memory_space<vmem>>) target(%dma_start3A_41 : memref<10240x128xf32, #tpu.memory_space<vmem_shared>>) offsets(%dma_start3A_38 : memref<128xi32, #tpu.memory_space<vmem>>) semaphore(%run_scoped3A : memref<!tpu.dma_semaphore, #tpu.memory_space<semaphore_mem>>) {add = true}
          %dma_wait3A_42 = arith.constant 0 : i32
          %dma_wait3A_43 = tpu.memref_slice %arg15[%scan3A_25, %dma_wait3A_42] : memref<79x128xi32, #tpu.memory_space<vmem>> -> memref<1x128xi32, #tpu.memory_space<vmem>>
          %dma_wait3A_44 = tpu.memref_squeeze %dma_wait3A_43 : memref<1x128xi32, #tpu.memory_space<vmem>> -> memref<128xi32, #tpu.memory_space<vmem>>
          %dma_wait3A_45 = arith.constant 0 : i32
          %dma_wait3A_46 = arith.constant 0 : i32
          %dma_wait3A_47 = tpu.memref_slice %arg17[%dma_wait3A_45, %dma_wait3A_46] : memref<10240x128xf32, #tpu.memory_space<vmem_shared>> -> memref<10240x128xf32, #tpu.memory_space<vmem_shared>>
          tpu.wait_indirect_dma semaphore(%run_scoped3A : memref<!tpu.dma_semaphore, #tpu.memory_space<semaphore_mem>>) src(%arg16 : memref<128x128xf32, #tpu.memory_space<vmem>>) dst(%dma_wait3A_47 : memref<10240x128xf32, #tpu.memory_space<vmem_shared>>)
          tpu.yield
        }) : () -> ()
      }
      %scan3A_22 = arith.constant 79 : i32
      %barrier3A_23 = arith.constant 0 : index
      tpu.barrier barrier_id(%barrier3A_23)
      "tpu.region"() ({
        %run_scoped3A = tpu.sem_alloc : memref<!tpu.dma_semaphore, #tpu.memory_space<semaphore_mem>>
        %dma_start3A = arith.constant 0 : i32
        %dma_start3A_25 = tpu.memref_slice %arg13[%mul3A_0, %dma_start3A] : memref<10240x128xf32, #tpu.memory_space<hbm>> -> memref<640x128xf32, #tpu.memory_space<hbm>>
        %dma_start3A_26 = arith.constant 0 : i32
        %dma_start3A_27 = tpu.memref_slice %arg17[%mul3A_0, %dma_start3A_26] : memref<10240x128xf32, #tpu.memory_space<vmem_shared>> -> memref<640x128xf32, #tpu.memory_space<vmem_shared>>
        tpu.enqueue_dma source(%dma_start3A_27 : memref<640x128xf32, #tpu.memory_space<vmem_shared>>) target(%dma_start3A_25 : memref<640x128xf32, #tpu.memory_space<hbm>>) target_semaphore(%run_scoped3A : memref<!tpu.dma_semaphore, #tpu.memory_space<semaphore_mem>>)
        %dma_wait3A = arith.constant 0 : i32
        %dma_wait3A_28 = tpu.memref_slice %arg13[%mul3A_0, %dma_wait3A] : memref<10240x128xf32, #tpu.memory_space<hbm>> -> memref<640x128xf32, #tpu.memory_space<hbm>>
        %dma_wait3A_29 = arith.constant 0 : i32
        %dma_wait3A_30 = tpu.memref_slice %arg17[%mul3A_0, %dma_wait3A_29] : memref<10240x128xf32, #tpu.memory_space<vmem_shared>> -> memref<640x128xf32, #tpu.memory_space<vmem_shared>>
        tpu.wait_dma2 semaphore(%run_scoped3A : memref<!tpu.dma_semaphore, #tpu.memory_space<semaphore_mem>>) src(%dma_wait3A_30 : memref<640x128xf32, #tpu.memory_space<vmem_shared>>) dst(%dma_wait3A_28 : memref<640x128xf32, #tpu.memory_space<hbm>>)
        tpu.yield
      }) : () -> ()
      %barrier3A_24 = arith.constant 0 : index
      tpu.barrier barrier_id(%barrier3A_24)
    } else {
    }
    return
  }
}

module attributes {stable_mosaic.version = 14 : i64} {
  func.func @_xw_body(%arg0: i32, %arg1: memref<1024x256xf32, #tpu.memory_space<vmem>>, %arg2: memref<256x256xf32, #tpu.memory_space<vmem>>, %arg3: memref<256x256xf32, #tpu.memory_space<vmem>>, %arg4: memref<2x16x1024xf32, #tpu.memory_space<vmem>>, %arg5: memref<1024x128xf32, #tpu.memory_space<vmem>>, %arg6: memref<1024x128xf32, #tpu.memory_space<vmem>>, %arg7: memref<1024x128xf32, #tpu.memory_space<vmem>>, %arg8: memref<1024x128xf32, #tpu.memory_space<vmem>>) attributes {dimension_semantics = [#tpu.dimension_semantics<arbitrary>], iteration_bounds = array<i64: 10>, scalar_prefetch = 0 : i64, scratch_operands = 0 : i64, tpu.core_type = #tpu.core_type<tc>, window_params = [{transform_indices = @transform_0, window_bounds = array<i64: 1024, 256>}, {pipeline_mode = #tpu.pipeline_mode<synchronous>, transform_indices = @transform_1, window_bounds = array<i64: 256, 256>}, {pipeline_mode = #tpu.pipeline_mode<synchronous>, transform_indices = @transform_2, window_bounds = array<i64: 256, 256>}, {transform_indices = @transform_3, window_bounds = array<i64: 2, 16, 1024>}, {transform_indices = @transform_4, window_bounds = array<i64: 1024, 128>}, {transform_indices = @transform_5, window_bounds = array<i64: 1024, 128>}, {transform_indices = @transform_6, window_bounds = array<i64: 1024, 128>}, {transform_indices = @transform_7, window_bounds = array<i64: 1024, 128>}]} {
    %get3A = arith.constant 0 : index
    %get3A_0 = arith.constant 0 : index
    %get3A_1 = arith.constant 0 : index
    %get3A_2 = vector.load %arg4[%get3A, %get3A_0, %get3A_1] : memref<2x16x1024xf32, #tpu.memory_space<vmem>>, vector<2x16x1024xf32>
    %reduce_sum3A = arith.constant dense<0.000000e+00> : vector<2x1024xf32>
    %reduce_sum3A_3 = vector.multi_reduction <add>, %get3A_2, %reduce_sum3A [1] : vector<2x16x1024xf32> to vector<2x1024xf32>
    %add3A = arith.constant 1.000000e+00 : f32
    %add3A_4 = vector.broadcast %add3A : f32 to vector<2x1024xf32>
    %add3A_5 = arith.addf %reduce_sum3A_3, %add3A_4 : vector<2x1024xf32>
    %rsqrt3A = math.rsqrt %add3A_5 : vector<2x1024xf32>
    %get3A_6 = arith.constant 0 : index
    %get3A_7 = arith.constant 0 : index
    %get3A_8 = vector.load %arg1[%get3A_6, %get3A_7] : memref<1024x256xf32, #tpu.memory_space<vmem>>, vector<1024x256xf32>
    %get3A_9 = arith.constant 0 : index
    %get3A_10 = arith.constant 0 : index
    %get3A_11 = vector.load %arg2[%get3A_9, %get3A_10] : memref<256x256xf32, #tpu.memory_space<vmem>>, vector<256x256xf32>
    %dot_general3A = arith.constant dense<0.000000e+00> : vector<1024x256xf32>
    %dot_general3A_12 = tpu.matmul %get3A_8, %get3A_11, %dot_general3A {dimension_numbers = #tpu.dot_dimension_numbers<[1], [0], [0], [1], [0, 0, 1, 1], [], []>, transpose_lhs_hint = false} : vector<1024x256xf32>, vector<256x256xf32>, vector<1024x256xf32> -> vector<1024x256xf32>
    %slice3A = vector.extract_strided_slice %rsqrt3A {offsets = [0, 0], sizes = [1, 1024], strides = [1, 1]} : vector<2x1024xf32> to vector<1x1024xf32>
    %squeeze3A = vector.shape_cast %slice3A : vector<1x1024xf32> to vector<1024xf32>
    %broadcast_in_dim3A = vector.shape_cast %squeeze3A : vector<1024xf32> to vector<1024x1xf32>
    %mul3A = vector.broadcast %broadcast_in_dim3A : vector<1024x1xf32> to vector<1024x256xf32>
    %mul3A_13 = arith.mulf %dot_general3A_12, %mul3A : vector<1024x256xf32>
    %slice3A_14 = vector.extract_strided_slice %mul3A_13 {offsets = [0, 0], sizes = [1024, 128], strides = [1, 1]} : vector<1024x256xf32> to vector<1024x128xf32>
    %swap3A = arith.constant 0 : index
    %swap3A_15 = arith.constant 0 : index
    %swap3A_16 = vector.load %arg5[%swap3A, %swap3A_15] : memref<1024x128xf32, #tpu.memory_space<vmem>>, vector<1024x128xf32>
    tpu.vector_store %arg5[%swap3A, %swap3A_15], %slice3A_14 {strides = array<i32>} : memref<1024x128xf32, #tpu.memory_space<vmem>>, vector<1024x128xf32>,
    %slice3A_17 = vector.extract_strided_slice %mul3A_13 {offsets = [0, 128], sizes = [1024, 128], strides = [1, 1]} : vector<1024x256xf32> to vector<1024x128xf32>
    %swap3A_18 = arith.constant 0 : index
    %swap3A_19 = arith.constant 0 : index
    %swap3A_20 = vector.load %arg6[%swap3A_18, %swap3A_19] : memref<1024x128xf32, #tpu.memory_space<vmem>>, vector<1024x128xf32>
    tpu.vector_store %arg6[%swap3A_18, %swap3A_19], %slice3A_17 {strides = array<i32>} : memref<1024x128xf32, #tpu.memory_space<vmem>>, vector<1024x128xf32>,
    %get3A_21 = arith.constant 0 : index
    %get3A_22 = arith.constant 0 : index
    %get3A_23 = vector.load %arg3[%get3A_21, %get3A_22] : memref<256x256xf32, #tpu.memory_space<vmem>>, vector<256x256xf32>
    %dot_general3A_24 = arith.constant dense<0.000000e+00> : vector<1024x256xf32>
    %dot_general3A_25 = tpu.matmul %get3A_8, %get3A_23, %dot_general3A_24 {dimension_numbers = #tpu.dot_dimension_numbers<[1], [0], [0], [1], [0, 0, 1, 1], [], []>, transpose_lhs_hint = false} : vector<1024x256xf32>, vector<256x256xf32>, vector<1024x256xf32> -> vector<1024x256xf32>
    %slice3A_26 = vector.extract_strided_slice %rsqrt3A {offsets = [1, 0], sizes = [1, 1024], strides = [1, 1]} : vector<2x1024xf32> to vector<1x1024xf32>
    %squeeze3A_27 = vector.shape_cast %slice3A_26 : vector<1x1024xf32> to vector<1024xf32>
    %broadcast_in_dim3A_28 = vector.shape_cast %squeeze3A_27 : vector<1024xf32> to vector<1024x1xf32>
    %mul3A_29 = vector.broadcast %broadcast_in_dim3A_28 : vector<1024x1xf32> to vector<1024x256xf32>
    %mul3A_30 = arith.mulf %dot_general3A_25, %mul3A_29 : vector<1024x256xf32>
    %slice3A_31 = vector.extract_strided_slice %mul3A_30 {offsets = [0, 0], sizes = [1024, 128], strides = [1, 1]} : vector<1024x256xf32> to vector<1024x128xf32>
    %swap3A_32 = arith.constant 0 : index
    %swap3A_33 = arith.constant 0 : index
    %swap3A_34 = vector.load %arg7[%swap3A_32, %swap3A_33] : memref<1024x128xf32, #tpu.memory_space<vmem>>, vector<1024x128xf32>
    tpu.vector_store %arg7[%swap3A_32, %swap3A_33], %slice3A_31 {strides = array<i32>} : memref<1024x128xf32, #tpu.memory_space<vmem>>, vector<1024x128xf32>,
    %slice3A_35 = vector.extract_strided_slice %mul3A_30 {offsets = [0, 128], sizes = [1024, 128], strides = [1, 1]} : vector<1024x256xf32> to vector<1024x128xf32>
    %swap3A_36 = arith.constant 0 : index
    %swap3A_37 = arith.constant 0 : index
    %swap3A_38 = vector.load %arg8[%swap3A_36, %swap3A_37] : memref<1024x128xf32, #tpu.memory_space<vmem>>, vector<1024x128xf32>
    tpu.vector_store %arg8[%swap3A_36, %swap3A_37], %slice3A_35 {strides = array<i32>} : memref<1024x128xf32, #tpu.memory_space<vmem>>, vector<1024x128xf32>,
    return
  }
  func.func @transform_0(%arg0: i32) -> (i32, i32) {
    %c0_i32 = arith.constant 0 : i32
    %c0_i32_0 = arith.constant 0 : i32
    return %arg0, %c0_i32 : i32, i32
  }
  func.func @transform_1(%arg0: i32) -> (i32, i32) {
    %c0_i32 = arith.constant 0 : i32
    %c0_i32_0 = arith.constant 0 : i32
    %c0_i32_1 = arith.constant 0 : i32
    return %c0_i32, %c0_i32_0 : i32, i32
  }
  func.func @transform_2(%arg0: i32) -> (i32, i32) {
    %c0_i32 = arith.constant 0 : i32
    %c0_i32_0 = arith.constant 0 : i32
    %c0_i32_1 = arith.constant 0 : i32
    return %c0_i32, %c0_i32_0 : i32, i32
  }
  func.func @transform_3(%arg0: i32) -> (i32, i32, i32) {
    %c0_i32 = arith.constant 0 : i32
    %c0_i32_0 = arith.constant 0 : i32
    %c0_i32_1 = arith.constant 0 : i32
    return %c0_i32, %c0_i32_0, %arg0 : i32, i32, i32
  }
  func.func @transform_4(%arg0: i32) -> (i32, i32) {
    %c0_i32 = arith.constant 0 : i32
    %c0_i32_0 = arith.constant 0 : i32
    return %arg0, %c0_i32 : i32, i32
  }
  func.func @transform_5(%arg0: i32) -> (i32, i32) {
    %c0_i32 = arith.constant 0 : i32
    %c0_i32_0 = arith.constant 0 : i32
    return %arg0, %c0_i32 : i32, i32
  }
  func.func @transform_6(%arg0: i32) -> (i32, i32) {
    %c0_i32 = arith.constant 0 : i32
    %c0_i32_0 = arith.constant 0 : i32
    return %arg0, %c0_i32 : i32, i32
  }
  func.func @transform_7(%arg0: i32) -> (i32, i32) {
    %c0_i32 = arith.constant 0 : i32
    %c0_i32_0 = arith.constant 0 : i32
    return %arg0, %c0_i32 : i32, i32
  }
}

module attributes {stable_mosaic.version = 14 : i64} {
  func.func @_combine_body(%arg0: i32, %arg1: memref<1024x128xf32, #tpu.memory_space<vmem>>, %arg2: memref<1024x128xf32, #tpu.memory_space<vmem>>, %arg3: memref<1024x128xf32, #tpu.memory_space<vmem>>, %arg4: memref<1024x128xf32, #tpu.memory_space<vmem>>, %arg5: memref<2x16x1024xf32, #tpu.memory_space<vmem>>, %arg6: memref<1024x2xf32, #tpu.memory_space<vmem>>, %arg7: memref<1x256xf32, #tpu.memory_space<vmem>>, %arg8: memref<1x256xf32, #tpu.memory_space<vmem>>, %arg9: memref<1024x256xf32, #tpu.memory_space<vmem>>) attributes {dimension_semantics = [#tpu.dimension_semantics<arbitrary>], iteration_bounds = array<i64: 10>, scalar_prefetch = 0 : i64, scratch_operands = 0 : i64, tpu.core_type = #tpu.core_type<tc>, window_params = [{transform_indices = @transform_0, window_bounds = array<i64: 1024, 128>}, {transform_indices = @transform_1, window_bounds = array<i64: 1024, 128>}, {transform_indices = @transform_2, window_bounds = array<i64: 1024, 128>}, {transform_indices = @transform_3, window_bounds = array<i64: 1024, 128>}, {transform_indices = @transform_4, window_bounds = array<i64: 2, 16, 1024>}, {transform_indices = @transform_5, window_bounds = array<i64: 1024, 2>}, {pipeline_mode = #tpu.pipeline_mode<synchronous>, transform_indices = @transform_6, window_bounds = array<i64: 1, 256>}, {pipeline_mode = #tpu.pipeline_mode<synchronous>, transform_indices = @transform_7, window_bounds = array<i64: 1, 256>}, {transform_indices = @transform_8, window_bounds = array<i64: 1024, 256>}]} {
    %get3A = arith.constant 0 : index
    %get3A_0 = arith.constant 0 : index
    %get3A_1 = arith.constant 0 : index
    %get3A_2 = vector.load %arg5[%get3A, %get3A_0, %get3A_1] : memref<2x16x1024xf32, #tpu.memory_space<vmem>>, vector<2x16x1024xf32>
    %reduce_sum3A = arith.constant dense<0.000000e+00> : vector<2x1024xf32>
    %reduce_sum3A_3 = vector.multi_reduction <add>, %get3A_2, %reduce_sum3A [1] : vector<2x16x1024xf32> to vector<2x1024xf32>
    %add3A = arith.constant 1.000000e+00 : f32
    %add3A_4 = vector.broadcast %add3A : f32 to vector<2x1024xf32>
    %add3A_5 = arith.addf %reduce_sum3A_3, %add3A_4 : vector<2x1024xf32>
    %rsqrt3A = math.rsqrt %add3A_5 : vector<2x1024xf32>
    %get3A_6 = arith.constant 0 : index
    %get3A_7 = arith.constant 0 : index
    %get3A_8 = vector.load %arg6[%get3A_6, %get3A_7] : memref<1024x2xf32, #tpu.memory_space<vmem>>, vector<1024x2xf32>
    %get3A_9 = arith.constant 0 : index
    %get3A_10 = arith.constant 0 : index
    %get3A_11 = vector.load %arg1[%get3A_9, %get3A_10] : memref<1024x128xf32, #tpu.memory_space<vmem>>, vector<1024x128xf32>
    %get3A_12 = arith.constant 0 : index
    %get3A_13 = arith.constant 0 : index
    %get3A_14 = vector.load %arg2[%get3A_12, %get3A_13] : memref<1024x128xf32, #tpu.memory_space<vmem>>, vector<1024x128xf32>
    %concatenate3A = tpu.concatenate %get3A_11, %get3A_14 in 1 : vector<1024x128xf32>, vector<1024x128xf32> -> vector<1024x256xf32>
    %get3A_15 = arith.constant 0 : index
    %get3A_16 = arith.constant 0 : index
    %get3A_17 = vector.load %arg3[%get3A_15, %get3A_16] : memref<1024x128xf32, #tpu.memory_space<vmem>>, vector<1024x128xf32>
    %get3A_18 = arith.constant 0 : index
    %get3A_19 = arith.constant 0 : index
    %get3A_20 = vector.load %arg4[%get3A_18, %get3A_19] : memref<1024x128xf32, #tpu.memory_space<vmem>>, vector<1024x128xf32>
    %concatenate3A_21 = tpu.concatenate %get3A_17, %get3A_20 in 1 : vector<1024x128xf32>, vector<1024x128xf32> -> vector<1024x256xf32>
    %slice3A = vector.extract_strided_slice %rsqrt3A {offsets = [0, 0], sizes = [1, 1024], strides = [1, 1]} : vector<2x1024xf32> to vector<1x1024xf32>
    %squeeze3A = vector.shape_cast %slice3A : vector<1x1024xf32> to vector<1024xf32>
    %broadcast_in_dim3A = vector.shape_cast %squeeze3A : vector<1024xf32> to vector<1024x1xf32>
    %mul3A = vector.broadcast %broadcast_in_dim3A : vector<1024x1xf32> to vector<1024x256xf32>
    %mul3A_22 = arith.mulf %mul3A, %concatenate3A : vector<1024x256xf32>
    %get3A_23 = arith.constant 0 : index
    %get3A_24 = arith.constant 0 : index
    %get3A_25 = vector.load %arg7[%get3A_23, %get3A_24] : memref<1x256xf32, #tpu.memory_space<vmem>>, vector<1x256xf32>
    %add3A_26 = vector.broadcast %get3A_25 : vector<1x256xf32> to vector<1024x256xf32>
    %add3A_27 = arith.addf %mul3A_22, %add3A_26 : vector<1024x256xf32>
    %max3A = arith.constant 0.000000e+00 : f32
    %max3A_28 = vector.broadcast %max3A : f32 to vector<1024x256xf32>
    %max3A_29 = arith.maximumf %add3A_27, %max3A_28 : vector<1024x256xf32>
    %slice3A_30 = vector.extract_strided_slice %rsqrt3A {offsets = [1, 0], sizes = [1, 1024], strides = [1, 1]} : vector<2x1024xf32> to vector<1x1024xf32>
    %squeeze3A_31 = vector.shape_cast %slice3A_30 : vector<1x1024xf32> to vector<1024xf32>
    %broadcast_in_dim3A_32 = vector.shape_cast %squeeze3A_31 : vector<1024xf32> to vector<1024x1xf32>
    %mul3A_33 = vector.broadcast %broadcast_in_dim3A_32 : vector<1024x1xf32> to vector<1024x256xf32>
    %mul3A_34 = arith.mulf %mul3A_33, %concatenate3A_21 : vector<1024x256xf32>
    %get3A_35 = arith.constant 0 : index
    %get3A_36 = arith.constant 0 : index
    %get3A_37 = vector.load %arg8[%get3A_35, %get3A_36] : memref<1x256xf32, #tpu.memory_space<vmem>>, vector<1x256xf32>
    %add3A_38 = vector.broadcast %get3A_37 : vector<1x256xf32> to vector<1024x256xf32>
    %add3A_39 = arith.addf %mul3A_34, %add3A_38 : vector<1024x256xf32>
    %max3A_40 = arith.constant 0.000000e+00 : f32
    %max3A_41 = vector.broadcast %max3A_40 : f32 to vector<1024x256xf32>
    %max3A_42 = arith.maximumf %add3A_39, %max3A_41 : vector<1024x256xf32>
    %slice3A_43 = vector.extract_strided_slice %get3A_8 {offsets = [0, 0], sizes = [1024, 1], strides = [1, 1]} : vector<1024x2xf32> to vector<1024x1xf32>
    %mul3A_44 = vector.broadcast %slice3A_43 : vector<1024x1xf32> to vector<1024x256xf32>
    %mul3A_45 = arith.mulf %mul3A_44, %max3A_29 : vector<1024x256xf32>
    %slice3A_46 = vector.extract_strided_slice %get3A_8 {offsets = [0, 1], sizes = [1024, 1], strides = [1, 1]} : vector<1024x2xf32> to vector<1024x1xf32>
    %mul3A_47 = vector.broadcast %slice3A_46 : vector<1024x1xf32> to vector<1024x256xf32>
    %mul3A_48 = arith.mulf %mul3A_47, %max3A_42 : vector<1024x256xf32>
    %add3A_49 = arith.addf %mul3A_45, %mul3A_48 : vector<1024x256xf32>
    %swap3A = arith.constant 0 : index
    %swap3A_50 = arith.constant 0 : index
    %swap3A_51 = vector.load %arg9[%swap3A, %swap3A_50] : memref<1024x256xf32, #tpu.memory_space<vmem>>, vector<1024x256xf32>
    tpu.vector_store %arg9[%swap3A, %swap3A_50], %add3A_49 {strides = array<i32>} : memref<1024x256xf32, #tpu.memory_space<vmem>>, vector<1024x256xf32>,
    return
  }
  func.func @transform_0(%arg0: i32) -> (i32, i32) {
    %c0_i32 = arith.constant 0 : i32
    %c0_i32_0 = arith.constant 0 : i32
    return %arg0, %c0_i32 : i32, i32
  }
  func.func @transform_1(%arg0: i32) -> (i32, i32) {
    %c0_i32 = arith.constant 0 : i32
    %c0_i32_0 = arith.constant 0 : i32
    return %arg0, %c0_i32 : i32, i32
  }
  func.func @transform_2(%arg0: i32) -> (i32, i32) {
    %c0_i32 = arith.constant 0 : i32
    %c0_i32_0 = arith.constant 0 : i32
    return %arg0, %c0_i32 : i32, i32
  }
  func.func @transform_3(%arg0: i32) -> (i32, i32) {
    %c0_i32 = arith.constant 0 : i32
    %c0_i32_0 = arith.constant 0 : i32
    return %arg0, %c0_i32 : i32, i32
  }
  func.func @transform_4(%arg0: i32) -> (i32, i32, i32) {
    %c0_i32 = arith.constant 0 : i32
    %c0_i32_0 = arith.constant 0 : i32
    %c0_i32_1 = arith.constant 0 : i32
    return %c0_i32, %c0_i32_0, %arg0 : i32, i32, i32
  }
  func.func @transform_5(%arg0: i32) -> (i32, i32) {
    %c0_i32 = arith.constant 0 : i32
    %c0_i32_0 = arith.constant 0 : i32
    return %arg0, %c0_i32 : i32, i32
  }
  func.func @transform_6(%arg0: i32) -> (i32, i32) {
    %c0_i32 = arith.constant 0 : i32
    %c0_i32_0 = arith.constant 0 : i32
    %c0_i32_1 = arith.constant 0 : i32
    return %c0_i32, %c0_i32_0 : i32, i32
  }
  func.func @transform_7(%arg0: i32) -> (i32, i32) {
    %c0_i32 = arith.constant 0 : i32
    %c0_i32_0 = arith.constant 0 : i32
    %c0_i32_1 = arith.constant 0 : i32
    return %c0_i32, %c0_i32_0 : i32, i32
  }
  func.func @transform_8(%arg0: i32) -> (i32, i32) {
    %c0_i32 = arith.constant 0 : i32
    %c0_i32_0 = arith.constant 0 : i32
    return %arg0, %c0_i32 : i32, i32
  }
}

</mosaic_0001>

<sc_bundles>
// kernel: kernel.6.cloned.1.call-start
scs
__scs_entry_jumppad:
0x0: {  	(pc) =	sbr.rel $0x88, $3  }
0x1: {  	(tag) =	ssettag $0x0;
	lr =	simm.s32 $0x1  }
0x2: {  	[smem:$0x3F99] =	sst lr;
	_ =	strace $0xD0000000  }
0x3: {  	_ = 	snop  }
0x4: {  	_ = 	snop  }
0x5: {  	_ = 	snop  }
0x6: {  	_ = 	snop  }
0x7: {  	_ = 	snop  }
__scs_overlays_trampoline_lowered:
0x8: {  	[smem:$0x3FA8] =	sst s0  }
0x9: {  	[smem:$0x3FA9] =	sst s1  }
0xa: {  	[smem:$0x3FAA] =	sst s2  }
0xb: {  	[smem:$0x3FAB] =	sst s3  }
0xc: {  	[smem:$0x3FAC] =	sst s4  }
0xd: {  	[smem:$0x3FAD] =	sst s5  }
0xe: {  	[smem:$0x3FAE] =	sst s6  }
0xf: {  	[smem:$0x3FAF] =	sst s7  }
0x10: {  	[smem:$0x3FB0] =	sst s8  }
0x11: {  	[smem:$0x3FB1] =	sst s9;
	s0 =	simm.s32 @!p0 $0x0  }
0x12: {  	s1 =	sld [smem:$0x3F97];
	s0 =	simm.s32 @p0 $0x1  }
0x13: {  	[smem:$0x3FB2] =	sst s0;
	s0 =	simm.s32 @!p1 $0x0  }
0x14: {  	s2 =	sld [smem:$0x3F96];
	s0 =	simm.s32 @p1 $0x1  }
0x15: {  	[smem:$0x3FB3] =	sst s0;
	s0 =	simm.s32 @!p2 $0x0  }
0x16: {  	s3 =	sld [smem:$0x3FDB];
	s0 =	simm.s32 @p2 $0x1  }
0x17: {  	s4 =	simm.s32 $0x1BF5;
	[smem:$0x3FB5] =	sst s0  }
0x18: {  	s0 =	sld [smem:$0x3F98];
	_ =	swait.ge [sflag:s4], $0x0  }
0x19: {  	s7 =	sld [smem:$0x3F99]  }
0x1a: {  	s8 =	sadd.s32 $0xFFFFE003, lr  }
0x1b: {  	s9 =	sadd.s32 $0xFFFFFEF7, lr;
	s5 =	simm.s32 $0xFFFFFFFF;
	p2 =	slt.u32 s8, $0xFFFFF086  }
0x1c: {  	p1 =	slt.u32 s9, $0xF7A;
	s5 =	simm.s32 @!p2 $0x0  }
0x1d: {  	s5 =	simm.s32 @p1 $0x1;
	p0 =	seq.s32 s7, s2  }
0x1e: {  	s7 =	smul.u32 @!p0 $0xF7A, s2;
	p2 =	seq.s32 @!p0 s5, $0x0  }
0x1f: {  	s9 =	smul.u32 $0xF7A, s1;
	s8 =	simm.s32 @!p0 $0x1BF5;
	p2 =	por !p2, p0  }
0x20: {  	[sflag:s8] =	ssyncset.s32 @!p0 $0xFFFFF086;
	s6 =	sadd.s32 @!p0 s3, s7;
	s7 =	simm.s32 @!p0 $0x108  }
0x21: {  	s3 =	sadd.s32 s3, s9;
	s6 =	sadd.s32 @!p0 $0x88, s6;
	s7 =	simm.s32 @p2 $0x1082  }
0x22: {  	[simem:s7], [sflag:s8] =	dma.local @!p0 [hbm:s6], $0xF7A  }
0x23: {  	s9 =	sor.u32 $0xD0000000, s2;
	s6 =	simm.s32 $0x108;
	_ =	swait.ge @!p0 [sflag:s8], $0x0  }
0x24: {  	s3 =	sadd.s32 $0x88, s3;
	s6 =	simm.s32 @!p1 $0x1082;
	[sflag:s4] =	ssyncset.s32 $0xFFFFF086  }
0x25: {  	[simem:s6], [sflag:s4] =	dma.local [hbm:s3], $0xF7A  }
0x26: {  	[smem:$0x3F99] =	sst s1;
	(tag) =	ssettag s2;
	_ =	strace s9  }
0x27: {  	s1 =	sld [smem:$0x3FA9]  }
0x28: {  	s2 =	sld [smem:$0x3FAA]  }
0x29: {  	s4 =	sld [smem:$0x3FAC]  }
0x2a: {  	p0 =	seq.s32 s5, $0x0;
	s5 =	sld [smem:$0x3FAD]  }
0x2b: {  	s6 =	sld [smem:$0x3FAE]  }
0x2c: {  	s7 =	sld [smem:$0x3FAF]  }
0x2d: {  	s3 =	simm.s32 $0x108;
	s8 =	sld [smem:$0x3FB0]  }
0x2e: {  	s3 =	simm.s32 @!p0 $0x1082;
	s9 =	sld [smem:$0x3FB1]  }
0x2f: {  	lr =	sadd.s32 s0, s3;
	s0 =	sld [smem:$0x3FA8]  }
0x30: {  	s3 =	sld [smem:$0x3FAB]  }
0x31: {  	[smem:$0x3FB4] =	sst s10  }
0x32: {  	s10 =	sld [smem:$0x3FB2];
	_ =	sdelay $0x3  }
0x33: {  	p0 =	seq.s32 s10, $0x1;
	s10 =	sld [smem:$0x3FB4];
	_ =	sdelay $0x3  }
0x34: {  	[smem:$0x3FB4] =	sst s10  }
0x35: {  	s10 =	sld [smem:$0x3FB3];
	_ =	sdelay $0x3  }
0x36: {  	p1 =	seq.s32 s10, $0x1;
	s10 =	sld [smem:$0x3FB4];
	_ =	sdelay $0x3  }
0x37: {  	[smem:$0x3FB4] =	sst s10  }
0x38: {  	s10 =	sld [smem:$0x3FB5]  }
0x39: {  	_ = 	snop;
	(pc) =	sbr.ind lr, $3  }
0x3a: {  	_ = 	snop  }
0x3b: {  	_ = 	snop  }
0x3c: {  	p2 =	seq.s32 s10, $0x1;
	s10 =	sld [smem:$0x3FB4]  }
0x3d: {  	_ =	shalt  }
0x3e: {  	_ =	shalt  }
0x3f: {  	_ =	shalt  }
0x40: {  	_ =	shalt  }
0x41: {  	_ =	shalt  }
0x42: {  	_ =	shalt  }
0x43: {  	_ =	shalt  }
0x44: {  	_ =	shalt  }
0x45: {  	_ =	shalt  }
0x46: {  	_ =	shalt  }
0x47: {  	_ =	shalt  }
0x48: {  	_ =	shalt  }
0x49: {  	_ =	shalt  }
0x4a: {  	_ =	shalt  }
0x4b: {  	_ =	shalt  }
0x4c: {  	_ =	shalt  }
0x4d: {  	_ =	shalt  }
0x4e: {  	_ =	shalt  }
0x4f: {  	_ =	shalt  }
0x50: {  	_ =	shalt  }
0x51: {  	_ =	shalt  }
0x52: {  	_ =	shalt  }
0x53: {  	_ =	shalt  }
0x54: {  	_ =	shalt  }
0x55: {  	_ =	shalt  }
0x56: {  	_ =	shalt  }
0x57: {  	_ =	shalt  }
0x58: {  	_ =	shalt  }
0x59: {  	_ =	shalt  }
0x5a: {  	_ =	shalt  }
0x5b: {  	_ =	shalt  }
0x5c: {  	_ =	shalt  }
0x5d: {  	_ =	shalt  }
0x5e: {  	_ =	shalt  }
0x5f: {  	_ =	shalt  }
0x60: {  	_ =	shalt  }
0x61: {  	_ =	shalt  }
0x62: {  	_ =	shalt  }
0x63: {  	_ =	shalt  }
0x64: {  	_ =	shalt  }
0x65: {  	_ =	shalt  }
0x66: {  	_ =	shalt  }
0x67: {  	_ =	shalt  }
0x68: {  	_ =	shalt  }
0x69: {  	_ =	shalt  }
0x6a: {  	_ =	shalt  }
0x6b: {  	_ =	shalt  }
0x6c: {  	_ =	shalt  }
0x6d: {  	_ =	shalt  }
0x6e: {  	_ =	shalt  }
0x6f: {  	_ =	shalt  }
0x70: {  	_ =	shalt  }
0x71: {  	_ =	shalt  }
0x72: {  	_ =	shalt  }
0x73: {  	_ =	shalt  }
0x74: {  	_ =	shalt  }
0x75: {  	_ =	shalt  }
0x76: {  	_ =	shalt  }
0x77: {  	_ =	shalt  }
0x78: {  	_ =	shalt  }
0x79: {  	_ =	shalt  }
0x7a: {  	_ =	shalt  }
0x7b: {  	_ =	shalt  }
0x7c: {  	_ =	shalt  }
0x7d: {  	_ =	shalt  }
0x7e: {  	_ =	shalt  }
0x7f: {  	_ =	shalt  }
0x80: {  	_ =	shalt  }
0x81: {  	_ =	shalt  }
0x82: {  	_ =	shalt  }
0x83: {  	_ =	shalt  }
0x84: {  	_ =	shalt  }
0x85: {  	_ =	shalt  }
0x86: {  	_ =	shalt  }
0x87: {  	_ =	shalt  }
.Lfunc_end0:
.L_simem_size_0:
called_computation_lowered:
.L_overlay_start_0:
0x88: {  	s2 =	sld [smem:$0x3FD9]  }
0x89: {  	s3 =	sld [smem:$0x3FFE];
	_ =	sdelay $0x1  }
0x8a: {  	s1 =	srdreg.scid  }
0x8b: {  	s0 =	sand.u32 $0x1, s1  }
0x8c: {  	s17 =	sshll.u32 s0, $0xA;
	s2 =	sadd.s32 s3, s2  }
0x8d: {  	s2 =	sadd.s32 s2, s17  }
0x8e: {  	[smem:$0x3FC0] =	sst s2  }
0x8f: {  	_ = 	snop  }
0x90: {  	s2 =	sld [smem:$0x3FD0];
	(tm) =	ssettm $0x1  }
0x91: {  	s18 =	sld [smem:$0x3FFB];
	_ =	sdelay $0x3  }
0x92: {  	_ =	strace s18  }
0x93: {  	s3 =	sld [smem:$0x3FFC];
	_ =	sdelay $0x3  }
0x94: {  	_ =	strace s3  }
0x95: {  	s3 =	sld [smem:$0x3FFD];
	_ =	sdelay $0x3  }
0x96: {  	_ =	strace s3  }
0x97: {  	_ =	strace $0x8FFFFFFF  }
0x98: {  	s19 =	sld [smem:$0x3FDB];
	_ =	sdelay $0x1  }
0x99: {  	s4 =	simm.s32 $_scs_section_size  }
0x9a: {  	s5 =	simm.s32 $_size__tile_overlayer_lowered;
	s6 =	simm.s32 $_tile_overlayer_lowered  }
0x9b: {  	s22 =	simm.s32 $0x1BFF;
	s21 =	sshll.u32 s6, $0x1;
	s3 =	sadd.s32 s4, s19  }
0x9c: {  	s7 =	simm.s32 $0x0;
	s20 =	sshll.u32 s5, $0x1;
	s5 =	sadd.s32 s21, s3  }
0x9d: {  	[timem:s7], [sflag:s22] =	dma.local [hbm:s5], s20  }
0x9e: {  	_ =	swait.ge [sflag:s22], s20  }
0x9f: {  	s4 =	ssub.s32 $0x0, s20;
	[sflag:s22] =	ssyncset.done $0x0  }
0xa0: {  	[sflag:s22] =	ssyncadd.s32 s4;
	_ =	sdelay $0x1  }
0xa1: {  	s23 =	simm.s32 $0x1B8B  }
0xa2: {  	_ =	swait.ge [sflag:s23], $0x1  }
0xa3: {  	[sflag:s23] =	ssyncset.done $0x0  }
0xa4: {  	s25 =	simm.s32 $0x1B8E;
	s24 =	sld [smem:$0x3FFE];
	[sflag:s23] =	ssyncadd.s32 $0xFFFFFFFF  }
0xa5: {  	s26 =	simm.s32 $execute0_lowered;
	[smem:$0x3FD2] =	sst s25  }
0xa6: {  	s5 =	sshll.u32 s26, $0x1;
	_ =	strace $0x80000046;
	[dreg:$0x1] =	wrdreg $0xFFFFFFFF  }
0xa7: {  	s28 =	simm.s32 $_size_execute0_lowered;
	s3 =	sadd.s32 s3, s5;
	[dreg:$0x0] =	wrdreg $0x0  }
0xa8: {  	s5 =	sshll.u32 s28, $0x1;
	[dreg:$0x2] =	wrdreg s3  }
0xa9: {  	[dreg:$0x3] =	wrdreg s5  }
0xaa: {  	[dreg:$0x4] =	wrdreg $0xC0  }
0xab: {  	_ =	task [dreg:s7], $0x5FFFF  }
0xac: {  	[dreg:$0x1] =	wrdreg $0xFFFFFFFF  }
0xad: {  	[dreg:$0x0] =	wrdreg $0x60  }
0xae: {  	[dreg:$0x2] =	wrdreg s24  }
0xaf: {  	[dreg:$0x3] =	wrdreg s2  }
0xb0: {  	[dreg:$0x4] =	wrdreg $0x9  }
0xb1: {  	_ =	task.clear_ibuf [dreg:s7], $0x5FFFF;
	_ =	strace $0x90000046  }
0xb2: {  	s29 =	simm.s32 $0x9;
	_ =	strace $0x80000048  }
0xb3: {  	_ =	swait.ge [sflag:s29], $0x1  }
0xb4: {  	[sflag:s29] =	ssyncadd.s32 $0xFFFFFFFF  }
0xb5: {  	_ =	strace $0x90000048  }
0xb6: {  	_ =	sfence  }
0xb7: {  	s30 =	sld [smem:$0x0];
	_ =	sdelay $0x2  }
0xb8: {  	s31 =	sshll.u32 s1, $0xD;
	s1 =	sshrl.u32 s1, $0x2  }
0xb9: {  	s3 =	sand.u32 $0x4000, s31;
	s1 =	sadd.s32 s1, s30  }
0xba: {  	s0 =	sor.u32 s3, s0;
	s1 =	sshll.u32 s1, $0x11  }
0xbb: {  	s0 =	sor.u32 s1, s0  }
0xbc: {  	s0 =	sadd.s32 $0x8F2B, s0  }
0xbd: {  	[sflag:s0] =	ssyncadd.remote.s32 $0x1  }
0xbe: {  	_ =	sfence.sel $0xFFFF  }
0xbf: {  	[dreg:$0x0] =	wrdreg $0xFFFFFFFF;
	(pc) =	sbr.abs _section_cstart, $3  }
0xc0: {  	[dreg:$0x1] =	wrdreg $0xFFFFFFFF  }
0xc1: {  	_ =	task.clear_ibuf [dreg:s7], $0x2FFFF;
	_ =	strace $0x9FFFFFFF  }
0xc2: {  	(tm) =	ssettm $0x7FFFFFFF  }
0xc3: {  	_ =	shalt  }
tec
execute0_lowered:
.L_overlay_start_1:
0x0: {  	(tag) =	ssettag $0x1  }
0x1: {  	s1 =	srdreg.scid  }
0x2: {  	s0 =	stileid.u32;
	s4 =	rddreg [dreg:$0x0];
	s3 =	sand.u32 $0x1, s1  }
0x3: {  	s7 =	rddreg [dreg:$0x1];
	s5 =	sshrl.u32 s0, $0x3;
	s6 =	smul.u32 $0x27800, s3  }
0x4: {  	s2 =	simm.s32 $0x0;
	s1 =	rddreg [dreg:$0x2];
	s8 =	smul.u32 $0x13C00, s5  }
0x5: {  	s10 =	sshll.u32 s0, $0x7;
	[smem:$0x7FF] =	sst s2;
	s9 =	smul.u32 $0x28000, s3  }
0x6: {  	s5 =	smul.u32 $0x14000, s5;
	s10 =	sand.u32 $0x380, s10;
	s3 =	ssub.s32 $0x2, s3  }
0x7: {  	_ =	strace $0x80000047;
	s31 =	sshrl.u32 s3, $0x1;
	s6 =	sadd.s32 s6, s8  }
0x8: {  	s5 =	sadd.s32 s9, s5;
	s8 =	simm.s32 $0x1;
	s6 =	sor.u32 s10, s6  }
0x9: {  	s9 =	simm.s32 $0x2780;
	s5 =	sor.u32 s10, s5;
	s6 =	sshrl.u32 s6, $0x3  }
0xa: {  	s10 =	simm.s32 $0x0;
	s5 =	sshrl.u32 s5, $0x3;
	s4 =	sadd.s32 s6, s4  }
0xb: {  	s6 =	ssub.s32 s3, s31;
	s3 =	sadd.s32 $0x2600, s4;
	s4 =	sadd.s32 s7, s5  }
0xc: {  	v0 =	vimm.f32 $0.0e+00;
	v1 =	vimm.f32 $1.000000000e+00;
	s5 =	smax.u32 s6, $0x1;
	s6 =	simm.s32 $0x80;
	s7 =	simm.s32 $0x400  }
.LBB2_1:
0xd: {  	[tilespmem:s2], [sflag:$0x1] =	stream.strided.gather [hbm4b:s3+s6], $0x2780, s7, s6, $0x38;
	[tilespmem:$0x4F80] =	vst v63  }
0xe: {  	_ =	swait.ge [sflag:s8], $0x2780  }
0xf: {  	[sflag:s8] =	ssyncset.done $0x0  }
0x10: {  	s11 =	simm.s32 $0x0;
	[sflag:s8] =	ssyncadd.s32 $0xFFFFD880  }
.LBB2_2:
0x11: {  	p0 =	sne.s32 s11, $0x9FC0  }
.Ltmp0:
0x12: {  	_ = 	snop;
	(pc) =	sbr.rel @p0 .LBB2_2-.Ltmp0, $3  }
0x13: {  	_ =	sdelay $0x1  }
0x14: {  	s12 =	sshra.s32 s11, $0x2  }
0x15: {  	s11 =	sadd.s32 $0x40, s11;
	[tilespmem:s12+$0x2780] =	vst v0  }
0x16: {  	s12 =	simm.s32 $0x0;
	s11 =	simm.s32 $0x40  }
.LBB2_4:
0x17: {  	p0 =	sne.s32 s11, $0x9DC0;
	v2 =	vld [tilespmem:s12+$0x0];
	_ =	sdelay $0x3  }
.Ltmp1:
0x18: {  	(pc) =	sbr.rel @p0 .LBB2_4-.Ltmp1, $2  }
0x19: {  	_ =	sdelay $0x2  }
0x1a: {  	s12 =	sshra.s32 s11, $0x2;
	s11 =	sadd.s32 $0x40, s11;
	[tilespmem:v2+s9+$0x0] =	vst.idx.add.f32.msk $0xffff, v1  }
0x1b: {  	v2 =	vld [tilespmem:s12+$0x0];
	_ =	sdelay $0x5  }
0x1c: {  	s10 =	sadd.s32 $0x1, s10  }
0x1d: {  	p0 =	sne.s32 s10, s5  }
.Ltmp2:
0x1e: {  	[tilespmem:v2+s9+$0x0] =	vst.idx.add.f32.msk $0xffff, v1;
	(pc) =	sbr.rel @p0 .LBB2_1-.Ltmp2, $4  }
0x1f: {  	[hbm4b:s4+s6] =	stream.strided.scatter [tilespmem:s9], [sflag:$0x1], $0x2800, s7, s6, $0x38;
	[tilespmem:$0x4F80] =	vst v63  }
0x20: {  	_ =	swait.ge [sflag:s8], $0x2800  }
0x21: {  	[sflag:s8] =	ssyncset.done $0x0  }
0x22: {  	[sflag:s8] =	ssyncadd.s32 $0xFFFFD800  }
0x23: {  	_ =	sfence.sel $0x180000  }
0x24: {  	[bflag:$0x0] =	sbarrier.arrive $0xFFFF  }
0x25: {  	p0 =	sne.s32 s0, $0x0;
	_ =	strace $0x90000047  }
0x26: {  	s0 =	sadd.s32 @!p0 $0x100000, s1;
	[bflag:$0x2] =	sbarrier.arrive $0xFFFF  }
0x27: {  	[sflag:s0] =	ssyncadd.tile.s32 @!p0 $0x1;
	_ =	shalt  }
.Lfunc_end2:
_tile_overlayer_lowered:
.L_overlay_start_2:
0x28: {  	(tag) =	ssettag $0x2  }
0x29: {  	s0 =	rddreg [dreg:$0x0];
	s2 =	stileid.u32  }
0x2a: {  	s1 =	rddreg [dreg:$0x1];
	p0 =	sne.s32 s2, $0x0  }
0x2b: {  	s3 =	rddreg [dreg:$0x2];
	[bflag:$0x3] =	sbarrier.arrive $0xFFFF;
	s2 =	simm.s32 @!p0 $0x1C01  }
0x2c: {  	[timem:s3], [sflag:s2] =	dma.local @!p0 [hbm:s0], s1  }
0x2d: {  	s0 =	simm.s32 @!p0 $0x1  }
0x2e: {  	_ =	swait.ge @!p0 [sflag:s0], s1  }
0x2f: {  	s1 =	ssub.s32 @!p0 $0x0, s1;
	[sflag:s0] =	ssyncset.done @!p0 $0x0  }
0x30: {  	[sflag:s0] =	ssyncadd.s32 @!p0 s1  }
0x31: {  	[bflag:$0x3] =	sbarrier.arrive $0xFFFF  }
0x32: {  	_ =	shalt  }

// kernel: kernel.9.cloned.1.call-start
scs
__scs_entry_jumppad:
0x0: {  	(pc) =	sbr.rel $0x88, $3  }
0x1: {  	(tag) =	ssettag $0x0;
	lr =	simm.s32 $0x1  }
0x2: {  	[smem:$0x3F99] =	sst lr;
	_ =	strace $0xD0000000  }
0x3: {  	_ = 	snop  }
0x4: {  	_ = 	snop  }
0x5: {  	_ = 	snop  }
0x6: {  	_ = 	snop  }
0x7: {  	_ = 	snop  }
__scs_overlays_trampoline_lowered:
0x8: {  	[smem:$0x3FA8] =	sst s0  }
0x9: {  	[smem:$0x3FA9] =	sst s1  }
0xa: {  	[smem:$0x3FAA] =	sst s2  }
0xb: {  	[smem:$0x3FAB] =	sst s3  }
0xc: {  	[smem:$0x3FAC] =	sst s4  }
0xd: {  	[smem:$0x3FAD] =	sst s5  }
0xe: {  	[smem:$0x3FAE] =	sst s6  }
0xf: {  	[smem:$0x3FAF] =	sst s7  }
0x10: {  	[smem:$0x3FB0] =	sst s8  }
0x11: {  	[smem:$0x3FB1] =	sst s9;
	s0 =	simm.s32 @!p0 $0x0  }
0x12: {  	s1 =	sld [smem:$0x3F97];
	s0 =	simm.s32 @p0 $0x1  }
0x13: {  	[smem:$0x3FB2] =	sst s0;
	s0 =	simm.s32 @!p1 $0x0  }
0x14: {  	s2 =	sld [smem:$0x3F96];
	s0 =	simm.s32 @p1 $0x1  }
0x15: {  	[smem:$0x3FB3] =	sst s0;
	s0 =	simm.s32 @!p2 $0x0  }
0x16: {  	s3 =	sld [smem:$0x3FDB];
	s0 =	simm.s32 @p2 $0x1  }
0x17: {  	s4 =	simm.s32 $0x1BF5;
	[smem:$0x3FB5] =	sst s0  }
0x18: {  	s0 =	sld [smem:$0x3F98];
	_ =	swait.ge [sflag:s4], $0x0  }
0x19: {  	s7 =	sld [smem:$0x3F99]  }
0x1a: {  	s8 =	sadd.s32 $0xFFFFE003, lr  }
0x1b: {  	s9 =	sadd.s32 $0xFFFFFEF7, lr;
	s5 =	simm.s32 $0xFFFFFFFF;
	p2 =	slt.u32 s8, $0xFFFFF086  }
0x1c: {  	p1 =	slt.u32 s9, $0xF7A;
	s5 =	simm.s32 @!p2 $0x0  }
0x1d: {  	s5 =	simm.s32 @p1 $0x1;
	p0 =	seq.s32 s7, s2  }
0x1e: {  	s7 =	smul.u32 @!p0 $0xF7A, s2;
	p2 =	seq.s32 @!p0 s5, $0x0  }
0x1f: {  	s9 =	smul.u32 $0xF7A, s1;
	s8 =	simm.s32 @!p0 $0x1BF5;
	p2 =	por !p2, p0  }
0x20: {  	[sflag:s8] =	ssyncset.s32 @!p0 $0xFFFFF086;
	s6 =	sadd.s32 @!p0 s3, s7;
	s7 =	simm.s32 @!p0 $0x108  }
0x21: {  	s3 =	sadd.s32 s3, s9;
	s6 =	sadd.s32 @!p0 $0x88, s6;
	s7 =	simm.s32 @p2 $0x1082  }
0x22: {  	[simem:s7], [sflag:s8] =	dma.local @!p0 [hbm:s6], $0xF7A  }
0x23: {  	s9 =	sor.u32 $0xD0000000, s2;
	s6 =	simm.s32 $0x108;
	_ =	swait.ge @!p0 [sflag:s8], $0x0  }
0x24: {  	s3 =	sadd.s32 $0x88, s3;
	s6 =	simm.s32 @!p1 $0x1082;
	[sflag:s4] =	ssyncset.s32 $0xFFFFF086  }
0x25: {  	[simem:s6], [sflag:s4] =	dma.local [hbm:s3], $0xF7A  }
0x26: {  	[smem:$0x3F99] =	sst s1;
	(tag) =	ssettag s2;
	_ =	strace s9  }
0x27: {  	s1 =	sld [smem:$0x3FA9]  }
0x28: {  	s2 =	sld [smem:$0x3FAA]  }
0x29: {  	s4 =	sld [smem:$0x3FAC]  }
0x2a: {  	p0 =	seq.s32 s5, $0x0;
	s5 =	sld [smem:$0x3FAD]  }
0x2b: {  	s6 =	sld [smem:$0x3FAE]  }
0x2c: {  	s7 =	sld [smem:$0x3FAF]  }
0x2d: {  	s3 =	simm.s32 $0x108;
	s8 =	sld [smem:$0x3FB0]  }
0x2e: {  	s3 =	simm.s32 @!p0 $0x1082;
	s9 =	sld [smem:$0x3FB1]  }
0x2f: {  	lr =	sadd.s32 s0, s3;
	s0 =	sld [smem:$0x3FA8]  }
0x30: {  	s3 =	sld [smem:$0x3FAB]  }
0x31: {  	[smem:$0x3FB4] =	sst s10  }
0x32: {  	s10 =	sld [smem:$0x3FB2];
	_ =	sdelay $0x3  }
0x33: {  	p0 =	seq.s32 s10, $0x1;
	s10 =	sld [smem:$0x3FB4];
	_ =	sdelay $0x3  }
0x34: {  	[smem:$0x3FB4] =	sst s10  }
0x35: {  	s10 =	sld [smem:$0x3FB3];
	_ =	sdelay $0x3  }
0x36: {  	p1 =	seq.s32 s10, $0x1;
	s10 =	sld [smem:$0x3FB4];
	_ =	sdelay $0x3  }
0x37: {  	[smem:$0x3FB4] =	sst s10  }
0x38: {  	s10 =	sld [smem:$0x3FB5]  }
0x39: {  	_ = 	snop;
	(pc) =	sbr.ind lr, $3  }
0x3a: {  	_ = 	snop  }
0x3b: {  	_ = 	snop  }
0x3c: {  	p2 =	seq.s32 s10, $0x1;
	s10 =	sld [smem:$0x3FB4]  }
0x3d: {  	_ =	shalt  }
0x3e: {  	_ =	shalt  }
0x3f: {  	_ =	shalt  }
0x40: {  	_ =	shalt  }
0x41: {  	_ =	shalt  }
0x42: {  	_ =	shalt  }
0x43: {  	_ =	shalt  }
0x44: {  	_ =	shalt  }
0x45: {  	_ =	shalt  }
0x46: {  	_ =	shalt  }
0x47: {  	_ =	shalt  }
0x48: {  	_ =	shalt  }
0x49: {  	_ =	shalt  }
0x4a: {  	_ =	shalt  }
0x4b: {  	_ =	shalt  }
0x4c: {  	_ =	shalt  }
0x4d: {  	_ =	shalt  }
0x4e: {  	_ =	shalt  }
0x4f: {  	_ =	shalt  }
0x50: {  	_ =	shalt  }
0x51: {  	_ =	shalt  }
0x52: {  	_ =	shalt  }
0x53: {  	_ =	shalt  }
0x54: {  	_ =	shalt  }
0x55: {  	_ =	shalt  }
0x56: {  	_ =	shalt  }
0x57: {  	_ =	shalt  }
0x58: {  	_ =	shalt  }
0x59: {  	_ =	shalt  }
0x5a: {  	_ =	shalt  }
0x5b: {  	_ =	shalt  }
0x5c: {  	_ =	shalt  }
0x5d: {  	_ =	shalt  }
0x5e: {  	_ =	shalt  }
0x5f: {  	_ =	shalt  }
0x60: {  	_ =	shalt  }
0x61: {  	_ =	shalt  }
0x62: {  	_ =	shalt  }
0x63: {  	_ =	shalt  }
0x64: {  	_ =	shalt  }
0x65: {  	_ =	shalt  }
0x66: {  	_ =	shalt  }
0x67: {  	_ =	shalt  }
0x68: {  	_ =	shalt  }
0x69: {  	_ =	shalt  }
0x6a: {  	_ =	shalt  }
0x6b: {  	_ =	shalt  }
0x6c: {  	_ =	shalt  }
0x6d: {  	_ =	shalt  }
0x6e: {  	_ =	shalt  }
0x6f: {  	_ =	shalt  }
0x70: {  	_ =	shalt  }
0x71: {  	_ =	shalt  }
0x72: {  	_ =	shalt  }
0x73: {  	_ =	shalt  }
0x74: {  	_ =	shalt  }
0x75: {  	_ =	shalt  }
0x76: {  	_ =	shalt  }
0x77: {  	_ =	shalt  }
0x78: {  	_ =	shalt  }
0x79: {  	_ =	shalt  }
0x7a: {  	_ =	shalt  }
0x7b: {  	_ =	shalt  }
0x7c: {  	_ =	shalt  }
0x7d: {  	_ =	shalt  }
0x7e: {  	_ =	shalt  }
0x7f: {  	_ =	shalt  }
0x80: {  	_ =	shalt  }
0x81: {  	_ =	shalt  }
0x82: {  	_ =	shalt  }
0x83: {  	_ =	shalt  }
0x84: {  	_ =	shalt  }
0x85: {  	_ =	shalt  }
0x86: {  	_ =	shalt  }
0x87: {  	_ =	shalt  }
.Lfunc_end0:
.L_simem_size_0:
called_computation.1_lowered:
.L_overlay_start_0:
0x88: {  	s2 =	sld [smem:$0x3FD9]  }
0x89: {  	s3 =	sld [smem:$0x3FFE];
	_ =	sdelay $0x1  }
0x8a: {  	s1 =	srdreg.scid  }
0x8b: {  	s0 =	sand.u32 $0x1, s1  }
0x8c: {  	s17 =	sshll.u32 s0, $0xA;
	s2 =	sadd.s32 s3, s2  }
0x8d: {  	s2 =	sadd.s32 s2, s17  }
0x8e: {  	[smem:$0x3FC0] =	sst s2  }
0x8f: {  	_ = 	snop  }
0x90: {  	s2 =	sld [smem:$0x3FD0];
	(tm) =	ssettm $0x1  }
0x91: {  	s18 =	sld [smem:$0x3FFB];
	_ =	sdelay $0x3  }
0x92: {  	_ =	strace s18  }
0x93: {  	s3 =	sld [smem:$0x3FFC];
	_ =	sdelay $0x3  }
0x94: {  	_ =	strace s3  }
0x95: {  	s3 =	sld [smem:$0x3FFD];
	_ =	sdelay $0x3  }
0x96: {  	_ =	strace s3  }
0x97: {  	_ =	strace $0x8FFFFFFF  }
0x98: {  	s19 =	sld [smem:$0x3FDB];
	_ =	sdelay $0x1  }
0x99: {  	s4 =	simm.s32 $_scs_section_size  }
0x9a: {  	s5 =	simm.s32 $_size__tile_overlayer_lowered;
	s6 =	simm.s32 $_tile_overlayer_lowered  }
0x9b: {  	s22 =	simm.s32 $0x1BFF;
	s21 =	sshll.u32 s6, $0x1;
	s3 =	sadd.s32 s4, s19  }
0x9c: {  	s7 =	simm.s32 $0x0;
	s20 =	sshll.u32 s5, $0x1;
	s5 =	sadd.s32 s21, s3  }
0x9d: {  	[timem:s7], [sflag:s22] =	dma.local [hbm:s5], s20  }
0x9e: {  	_ =	swait.ge [sflag:s22], s20  }
0x9f: {  	s4 =	ssub.s32 $0x0, s20;
	[sflag:s22] =	ssyncset.done $0x0  }
0xa0: {  	[sflag:s22] =	ssyncadd.s32 s4;
	_ =	sdelay $0x1  }
0xa1: {  	s23 =	simm.s32 $0x1B8B  }
0xa2: {  	_ =	swait.ge [sflag:s23], $0x1  }
0xa3: {  	[sflag:s23] =	ssyncset.done $0x0  }
0xa4: {  	s25 =	simm.s32 $0x1B8E;
	s24 =	sld [smem:$0x3FFE];
	[sflag:s23] =	ssyncadd.s32 $0xFFFFFFFF  }
0xa5: {  	s26 =	simm.s32 $execute0_lowered;
	[smem:$0x3FD2] =	sst s25  }
0xa6: {  	s5 =	sshll.u32 s26, $0x1;
	_ =	strace $0x80000049;
	[dreg:$0x1] =	wrdreg $0xFFFFFFFF  }
0xa7: {  	s28 =	simm.s32 $_size_execute0_lowered;
	s3 =	sadd.s32 s3, s5;
	[dreg:$0x0] =	wrdreg $0x0  }
0xa8: {  	s5 =	sshll.u32 s28, $0x1;
	[dreg:$0x2] =	wrdreg s3  }
0xa9: {  	[dreg:$0x3] =	wrdreg s5  }
0xaa: {  	[dreg:$0x4] =	wrdreg $0xC0  }
0xab: {  	_ =	task [dreg:s7], $0x5FFFF  }
0xac: {  	[dreg:$0x1] =	wrdreg $0xFFFFFFFF  }
0xad: {  	[dreg:$0x0] =	wrdreg $0x60  }
0xae: {  	[dreg:$0x2] =	wrdreg s2  }
0xaf: {  	[dreg:$0x3] =	wrdreg s24  }
0xb0: {  	[dreg:$0x4] =	wrdreg $0x90000  }
0xb1: {  	[dreg:$0x5] =	wrdreg $0x9  }
0xb2: {  	_ =	task.clear_ibuf [dreg:s7], $0x6FFFF;
	_ =	strace $0x90000049  }
0xb3: {  	s29 =	simm.s32 $0x9;
	_ =	strace $0x8000004B  }
0xb4: {  	_ =	swait.ge [sflag:s29], $0x1  }
0xb5: {  	[sflag:s29] =	ssyncadd.s32 $0xFFFFFFFF  }
0xb6: {  	_ =	strace $0x9000004B  }
0xb7: {  	_ =	sfence  }
0xb8: {  	s30 =	sld [smem:$0x0];
	_ =	sdelay $0x2  }
0xb9: {  	s31 =	sshll.u32 s1, $0xD;
	s1 =	sshrl.u32 s1, $0x2  }
0xba: {  	s3 =	sand.u32 $0x4000, s31;
	s1 =	sadd.s32 s1, s30  }
0xbb: {  	s0 =	sor.u32 s3, s0;
	s1 =	sshll.u32 s1, $0x11  }
0xbc: {  	s0 =	sor.u32 s1, s0  }
0xbd: {  	s0 =	sadd.s32 $0x8F2B, s0  }
0xbe: {  	[sflag:s0] =	ssyncadd.remote.s32 $0x1  }
0xbf: {  	_ =	sfence.sel $0xFFFF  }
0xc0: {  	[dreg:$0x0] =	wrdreg $0xFFFFFFFF;
	(pc) =	sbr.abs _section_cstart, $3  }
0xc1: {  	[dreg:$0x1] =	wrdreg $0xFFFFFFFF  }
0xc2: {  	_ =	task.clear_ibuf [dreg:s7], $0x2FFFF;
	_ =	strace $0x9FFFFFFF  }
0xc3: {  	(tm) =	ssettm $0x7FFFFFFF  }
tec
execute0_lowered:
.L_overlay_start_1:
0x0: {  	(tag) =	ssettag $0x1  }
0x1: {  	s1 =	rddreg [dreg:$0x0]  }
0x2: {  	s0 =	rddreg [dreg:$0x1]  }
0x3: {  	s3 =	rddreg [dreg:$0x2]  }
0x4: {  	s4 =	simm.s32 $0x0;
	s9 =	stileid.u32;
	s8 =	srdreg.scid  }
0x5: {  	s22 =	simm.s32 $0x2;
	s23 =	simm.s32 $0x2800;
	s28 =	simm.s32 $0x80  }
0x6: {  	s29 =	simm.s32 $0x5000;
	s30 =	simm.s32 $0x1;
	s31 =	simm.s32 $0x0  }
0x7: {  	[smem:$0x7FF] =	sst s4;
	s2 =	smul.u32 $0x500, s9;
	s5 =	sadd.s32 $0x20400, s0  }
0x8: {  	s6 =	sadd.s32 $0x48400, s0;
	s7 =	sadd.s32 $0x70400, s0;
	s8 =	sand.u32 $0x1, s8  }
0x9: {  	s10 =	sadd.s32 $0x98400, s0;
	s24 =	sadd.s32 $0xC0400, s0;
	s25 =	sadd.s32 $0xE8400, s0  }
0xa: {  	s15 =	smul.u32 $0x50000, s9;
	_ =	strace $0x8000004A;
	[dreg:$0x4] =	wrdreg s10  }
0xb: {  	s11 =	sadd.s32 $0x110400, s0;
	[dreg:$0x5] =	wrdreg s24;
	s12 =	ssub.s32 $0x2, s8  }
0xc: {  	[dreg:$0x6] =	wrdreg s25;
	p0 =	sne.s32 s8, $0x0;
	s13 =	sshrl.u32 s12, $0x1  }
0xd: {  	s24 =	sshll.u32 s9, $0x6;
	s26 =	ssub.s32 s12, s13;
	s12 =	smul.u32 $0x2800, s9  }
.Ltmp0:
0xe: {  	s2 =	sadd.s32 s2, s0;
	s15 =	sshrl.u32 s15, $0x2;
	(pc) =	sbr.rel .LBB2_1-.Ltmp0, $4  }
0xf: {  	s13 =	sadd.s32 $0x16400, s2;
	s14 =	sadd.s32 $0xC400, s2;
	s25 =	sadd.s32 s15, s3  }
0x10: {  	s17 =	sadd.s32 $0x1B400, s2;
	s18 =	sadd.s32 $0x11400, s2;
	s21 =	smax.u32 s26, $0x1  }
0x11: {  	s25 =	sshrl.u32 s25, $0x3;
	s26 =	sor.u32 $0x1C02, s24;
	s15 =	sadd.s32 s5, s12  }
0x12: {  	s16 =	sadd.s32 s1, s12;
	s19 =	sadd.s32 s7, s12;
	s20 =	sadd.s32 s6, s12  }
.LBB2_14:
0x13: {  	s2 =	sshra.s32 s2, $0x2;
	[sflag:s22] =	ssyncadd.s32 $0xFFFFC000  }
0x14: {  	[tilespmem:s29], [sflag:$0x1] =	stream.indirect.gather [hbm4b:s7+s28], $0x80, s2, s28, $0xb8;
	[tilespmem:$0x1D000] =	vst v63  }
0x15: {  	_ =	swait.ge [sflag:s30], $0x4000  }
0x16: {  	[sflag:s30] =	ssyncset.done $0x0  }
0x17: {  	s2 =	sadd.s32 $0x2800, s2;
	[sflag:s30] =	ssyncadd.s32 $0xFFFFC000  }
0x18: {  	[spmem:s3] =	stream.indirect.scatter.add.f32 [tilespmem:s29], [sflag:$0x2], $0x80, s2, s28, $0xb8;
	[tilespmem:$0x1D000] =	vst v63  }
0x19: {  	_ =	swait.ge [sflag:s22], $0x4000  }
0x1a: {  	[sflag:s22] =	ssyncset.done $0x0  }
0x1b: {  	s2 =	smov.u32 s11;
	[sflag:s22] =	ssyncadd.s32 $0xFFFFC000  }
.LBB2_15:
0x1c: {  	s2 =	sadd.s32 s2, s12;
	[bflag:$0x0] =	sbarrier.arrive $0xFFFF;
	s31 =	sadd.s32 $0x1, s31  }
0x1d: {  	[hbm:s2], [sflag:s0] =	dma.local [spmem:s25], $0x2800  }
0x1e: {  	p1 =	sne.s32 s31, s21  }
.Ltmp1:
0x1f: {  	_ =	swait.ge [sflag:s22], $0x2800;
	(pc) =	sbr.rel @!p1 .LBB2_16-.Ltmp1, $3  }
0x20: {  	[sflag:s22] =	ssyncset.done $0x0  }
0x21: {  	[sflag:s22] =	ssyncadd.s32 $0xFFFFD800  }
0x22: {  	[bflag:$0x0] =	sbarrier.arrive $0xFFFF;
	_ =	sdelay $0x1  }
.LBB2_1:
0x23: {  	[tilespmem:s4], [sflag:$0x2] =	stream.linear.gather [hbm4b:s13+s4], $0x2780, $0x38;
	[tilespmem:$0x1D000] =	vst v63  }
0x24: {  	_ =	swait.ge [sflag:s22], $0x2780  }
0x25: {  	[sflag:s22] =	ssyncset.done $0x0  }
.Ltmp2:
0x26: {  	[sflag:s22] =	ssyncadd.s32 $0xFFFFD880;
	(pc) =	sbr.rel @p0 .LBB2_5-.Ltmp2, $4  }
0x27: {  	[tilespmem:s23], [sflag:$0x2] =	stream.linear.gather [hbm4b:s14+s4], $0x2780, $0x38;
	[tilespmem:$0x1D000] =	vst v63  }
0x28: {  	_ =	swait.ge [sflag:s22], $0x2780  }
0x29: {  	[sflag:s22] =	ssyncset.done $0x0  }
0x2a: {  	[sflag:s22] =	ssyncadd.s32 $0xFFFFD880  }
0x2b: {  	[spmem:s25], [sflag:s26] =	dma.local [hbm:s16], $0x2800  }
0x2c: {  	_ =	swait.ge [sflag:s22], $0x2800  }
0x2d: {  	[sflag:s22] =	ssyncset.done $0x0  }
0x2e: {  	[sflag:s22] =	ssyncadd.s32 $0xFFFFD800  }
0x2f: {  	s0 =	simm.s32 $0x0;
	[bflag:$0x0] =	sbarrier.arrive $0xFFFF  }
0x30: {  	[tilespmem:s29], [sflag:$0x1] =	stream.indirect.gather [hbm4b:s1+s28], $0x80, s0, s28, $0xb8;
	[tilespmem:$0x1D000] =	vst v63  }
0x31: {  	_ =	swait.ge [sflag:s30], $0x4000  }
0x32: {  	[sflag:s30] =	ssyncset.done $0x0  }
0x33: {  	s10 =	simm.s32 $0x2800;
	[sflag:s30] =	ssyncadd.s32 $0xFFFFC000  }
0x34: {  	[spmem:s3] =	stream.indirect.scatter.add.f32 [tilespmem:s29], [sflag:$0x2], $0x80, s10, s28, $0xb8;
	[tilespmem:$0x1D000] =	vst v63  }
0x35: {  	_ =	swait.ge [sflag:s22], $0x4000  }
0x36: {  	s2 =	simm.s32 $0x400;
	s0 =	simm.s32 $0x200;
	[sflag:s22] =	ssyncset.done $0x0  }
.LBB2_3:
0x37: {  	s8 =	sshra.s32 s0, $0x2  }
0x38: {  	[sflag:s22] =	ssyncadd.s32 $0xFFFFC000;
	s0 =	smov.u32 s2;
	s9 =	sadd.s32 $0x200, s2  }
0x39: {  	[tilespmem:s29], [sflag:$0x1] =	stream.indirect.gather [hbm4b:s1+s28], $0x80, s8, s28, $0xb8;
	[tilespmem:$0x1D000] =	vst v63  }
0x3a: {  	p1 =	seq.s32 s2, $0x9C00;
	_ =	swait.ge [sflag:s30], $0x4000  }
.Ltmp3:
0x3b: {  	[sflag:s30] =	ssyncset.done $0x0;
	(pc) =	sbr.rel @!p1 .LBB2_3-.Ltmp3, $4  }
0x3c: {  	s2 =	sadd.s32 $0x2800, s8;
	[sflag:s30] =	ssyncadd.s32 $0xFFFFC000  }
0x3d: {  	[spmem:s3] =	stream.indirect.scatter.add.f32 [tilespmem:s29], [sflag:$0x2], $0x80, s2, s28, $0xb8;
	[tilespmem:$0x1D000] =	vst v63  }
0x3e: {  	_ =	swait.ge [sflag:s22], $0x4000  }
0x3f: {  	s2 =	smov.u32 s9;
	[sflag:s22] =	ssyncset.done $0x0  }
0x40: {  	s0 =	sshra.s32 s0, $0x2;
	[sflag:s22] =	ssyncadd.s32 $0xFFFFC000  }
0x41: {  	[tilespmem:s29], [sflag:$0x1] =	stream.indirect.gather [hbm4b:s1+s28], $0x80, s0, s28, $0xb8;
	[tilespmem:$0x1D000] =	vst v63  }
0x42: {  	_ =	swait.ge [sflag:s30], $0x4000  }
0x43: {  	[sflag:s30] =	ssyncset.done $0x0  }
.Ltmp4:
0x44: {  	s0 =	sadd.s32 $0x2800, s0;
	[sflag:s30] =	ssyncadd.s32 $0xFFFFC000;
	(pc) =	sbr.rel .LBB2_8-.Ltmp4, $4  }
0x45: {  	[spmem:s3] =	stream.indirect.scatter.add.f32 [tilespmem:s29], [sflag:$0x2], $0x80, s0, s28, $0xb8;
	[tilespmem:$0x1D000] =	vst v63  }
0x46: {  	_ =	swait.ge [sflag:s22], $0x4000  }
0x47: {  	[sflag:s22] =	ssyncset.done $0x0  }
0x48: {  	s0 =	smov.u32 s26;
	s2 =	rddreg [dreg:$0x4];
	[sflag:s22] =	ssyncadd.s32 $0xFFFFC000  }
.LBB2_5:
0x49: {  	s0 =	sor.u32 $0x1C02, s24  }
0x4a: {  	[spmem:s25], [sflag:s0] =	dma.local [hbm:s15], $0x2800  }
0x4b: {  	_ =	swait.ge [sflag:s22], $0x2800  }
0x4c: {  	[sflag:s22] =	ssyncset.done $0x0  }
0x4d: {  	[sflag:s22] =	ssyncadd.s32 $0xFFFFD800  }
0x4e: {  	s2 =	simm.s32 $0x0;
	[bflag:$0x0] =	sbarrier.arrive $0xFFFF  }
0x4f: {  	[tilespmem:s29], [sflag:$0x1] =	stream.indirect.gather [hbm4b:s5+s28], $0x80, s2, s28, $0xb8;
	[tilespmem:$0x1D000] =	vst v63  }
0x50: {  	_ =	swait.ge [sflag:s30], $0x4000  }
0x51: {  	[sflag:s30] =	ssyncset.done $0x0  }
0x52: {  	s10 =	simm.s32 $0x2800;
	[sflag:s30] =	ssyncadd.s32 $0xFFFFC000  }
0x53: {  	[spmem:s3] =	stream.indirect.scatter.add.f32 [tilespmem:s29], [sflag:$0x2], $0x80, s10, s28, $0xb8;
	[tilespmem:$0x1D000] =	vst v63  }
0x54: {  	_ =	swait.ge [sflag:s22], $0x4000  }
0x55: {  	s8 =	simm.s32 $0x400;
	s2 =	simm.s32 $0x200;
	[sflag:s22] =	ssyncset.done $0x0  }
.LBB2_6:
0x56: {  	s9 =	sshra.s32 s2, $0x2  }
0x57: {  	[sflag:s22] =	ssyncadd.s32 $0xFFFFC000;
	s2 =	smov.u32 s8;
	s10 =	sadd.s32 $0x200, s8  }
0x58: {  	[tilespmem:s29], [sflag:$0x1] =	stream.indirect.gather [hbm4b:s5+s28], $0x80, s9, s28, $0xb8;
	[tilespmem:$0x1D000] =	vst v63  }
0x59: {  	p1 =	sne.s32 s8, $0x9C00;
	_ =	swait.ge [sflag:s30], $0x4000  }
.Ltmp5:
0x5a: {  	[sflag:s30] =	ssyncset.done $0x0;
	(pc) =	sbr.rel @p1 .LBB2_6-.Ltmp5, $4  }
0x5b: {  	s8 =	sadd.s32 $0x2800, s9;
	[sflag:s30] =	ssyncadd.s32 $0xFFFFC000  }
0x5c: {  	[spmem:s3] =	stream.indirect.scatter.add.f32 [tilespmem:s29], [sflag:$0x2], $0x80, s8, s28, $0xb8;
	[tilespmem:$0x1D000] =	vst v63  }
0x5d: {  	_ =	swait.ge [sflag:s22], $0x4000  }
0x5e: {  	s8 =	smov.u32 s10;
	[sflag:s22] =	ssyncset.done $0x0  }
0x5f: {  	s2 =	sshra.s32 s2, $0x2;
	[sflag:s22] =	ssyncadd.s32 $0xFFFFC000  }
0x60: {  	[tilespmem:s29], [sflag:$0x1] =	stream.indirect.gather [hbm4b:s5+s28], $0x80, s2, s28, $0xb8;
	[tilespmem:$0x1D000] =	vst v63  }
0x61: {  	_ =	swait.ge [sflag:s30], $0x4000  }
0x62: {  	[sflag:s30] =	ssyncset.done $0x0  }
0x63: {  	s2 =	sadd.s32 $0x2800, s2;
	[sflag:s30] =	ssyncadd.s32 $0xFFFFC000  }
0x64: {  	[spmem:s3] =	stream.indirect.scatter.add.f32 [tilespmem:s29], [sflag:$0x2], $0x80, s2, s28, $0xb8;
	[tilespmem:$0x1D000] =	vst v63  }
0x65: {  	_ =	swait.ge [sflag:s22], $0x4000  }
0x66: {  	[sflag:s22] =	ssyncset.done $0x0  }
0x67: {  	s2 =	rddreg [dreg:$0x5];
	[sflag:s22] =	ssyncadd.s32 $0xFFFFC000  }
.LBB2_8:
0x68: {  	s2 =	sadd.s32 s2, s12;
	[bflag:$0x0] =	sbarrier.arrive $0xFFFF  }
0x69: {  	[hbm:s2], [sflag:s0] =	dma.local [spmem:s25], $0x2800  }
0x6a: {  	_ =	swait.ge [sflag:s22], $0x2800  }
0x6b: {  	[sflag:s22] =	ssyncset.done $0x0  }
0x6c: {  	[sflag:s22] =	ssyncadd.s32 $0xFFFFD800  }
0x6d: {  	[bflag:$0x0] =	sbarrier.arrive $0xFFFF  }
0x6e: {  	[tilespmem:s4], [sflag:$0x2] =	stream.linear.gather [hbm4b:s17+s4], $0x2780, $0x38;
	[tilespmem:$0x1D000] =	vst v63  }
0x6f: {  	_ =	swait.ge [sflag:s22], $0x2780  }
0x70: {  	[sflag:s22] =	ssyncset.done $0x0  }
.Ltmp6:
0x71: {  	[sflag:s22] =	ssyncadd.s32 $0xFFFFD880;
	(pc) =	sbr.rel @p0 .LBB2_12-.Ltmp6, $4  }
0x72: {  	[tilespmem:s23], [sflag:$0x2] =	stream.linear.gather [hbm4b:s18+s4], $0x2780, $0x38;
	[tilespmem:$0x1D000] =	vst v63  }
0x73: {  	_ =	swait.ge [sflag:s22], $0x2780  }
0x74: {  	[sflag:s22] =	ssyncset.done $0x0  }
0x75: {  	s0 =	sor.u32 $0x1C02, s24;
	[sflag:s22] =	ssyncadd.s32 $0xFFFFD880  }
0x76: {  	[spmem:s25], [sflag:s0] =	dma.local [hbm:s20], $0x2800  }
0x77: {  	_ =	swait.ge [sflag:s22], $0x2800  }
0x78: {  	[sflag:s22] =	ssyncset.done $0x0  }
0x79: {  	[sflag:s22] =	ssyncadd.s32 $0xFFFFD800  }
0x7a: {  	s2 =	simm.s32 $0x0;
	[bflag:$0x0] =	sbarrier.arrive $0xFFFF  }
0x7b: {  	[tilespmem:s29], [sflag:$0x1] =	stream.indirect.gather [hbm4b:s6+s28], $0x80, s2, s28, $0xb8;
	[tilespmem:$0x1D000] =	vst v63  }
0x7c: {  	_ =	swait.ge [sflag:s30], $0x4000  }
0x7d: {  	[sflag:s30] =	ssyncset.done $0x0  }
0x7e: {  	s10 =	simm.s32 $0x2800;
	[sflag:s30] =	ssyncadd.s32 $0xFFFFC000  }
0x7f: {  	[spmem:s3] =	stream.indirect.scatter.add.f32 [tilespmem:s29], [sflag:$0x2], $0x80, s10, s28, $0xb8;
	[tilespmem:$0x1D000] =	vst v63  }
0x80: {  	_ =	swait.ge [sflag:s22], $0x4000  }
0x81: {  	s8 =	simm.s32 $0x400;
	s2 =	simm.s32 $0x200;
	[sflag:s22] =	ssyncset.done $0x0  }
.LBB2_10:
0x82: {  	s9 =	sshra.s32 s2, $0x2  }
0x83: {  	[sflag:s22] =	ssyncadd.s32 $0xFFFFC000;
	s2 =	smov.u32 s8;
	s10 =	sadd.s32 $0x200, s8  }
0x84: {  	[tilespmem:s29], [sflag:$0x1] =	stream.indirect.gather [hbm4b:s6+s28], $0x80, s9, s28, $0xb8;
	[tilespmem:$0x1D000] =	vst v63  }
0x85: {  	p1 =	seq.s32 s8, $0x9C00;
	_ =	swait.ge [sflag:s30], $0x4000  }
.Ltmp7:
0x86: {  	[sflag:s30] =	ssyncset.done $0x0;
	(pc) =	sbr.rel @!p1 .LBB2_10-.Ltmp7, $4  }
0x87: {  	s8 =	sadd.s32 $0x2800, s9;
	[sflag:s30] =	ssyncadd.s32 $0xFFFFC000  }
0x88: {  	[spmem:s3] =	stream.indirect.scatter.add.f32 [tilespmem:s29], [sflag:$0x2], $0x80, s8, s28, $0xb8;
	[tilespmem:$0x1D000] =	vst v63  }
0x89: {  	_ =	swait.ge [sflag:s22], $0x4000  }
0x8a: {  	s8 =	smov.u32 s10;
	[sflag:s22] =	ssyncset.done $0x0  }
0x8b: {  	s2 =	sshra.s32 s2, $0x2;
	[sflag:s22] =	ssyncadd.s32 $0xFFFFC000  }
0x8c: {  	[tilespmem:s29], [sflag:$0x1] =	stream.indirect.gather [hbm4b:s6+s28], $0x80, s2, s28, $0xb8;
	[tilespmem:$0x1D000] =	vst v63  }
0x8d: {  	_ =	swait.ge [sflag:s30], $0x4000  }
0x8e: {  	[sflag:s30] =	ssyncset.done $0x0  }
.Ltmp8:
0x8f: {  	s2 =	sadd.s32 $0x2800, s2;
	[sflag:s30] =	ssyncadd.s32 $0xFFFFC000;
	(pc) =	sbr.rel .LBB2_15-.Ltmp8, $4  }
0x90: {  	[spmem:s3] =	stream.indirect.scatter.add.f32 [tilespmem:s29], [sflag:$0x2], $0x80, s2, s28, $0xb8;
	[tilespmem:$0x1D000] =	vst v63  }
0x91: {  	_ =	swait.ge [sflag:s22], $0x4000  }
0x92: {  	[sflag:s22] =	ssyncset.done $0x0  }
0x93: {  	s2 =	rddreg [dreg:$0x6];
	[sflag:s22] =	ssyncadd.s32 $0xFFFFC000  }
.LBB2_12:
0x94: {  	[spmem:s25], [sflag:s0] =	dma.local [hbm:s19], $0x2800  }
0x95: {  	_ =	swait.ge [sflag:s22], $0x2800  }
0x96: {  	[sflag:s22] =	ssyncset.done $0x0  }
0x97: {  	[sflag:s22] =	ssyncadd.s32 $0xFFFFD800  }
0x98: {  	s2 =	simm.s32 $0x0;
	[bflag:$0x0] =	sbarrier.arrive $0xFFFF  }
0x99: {  	[tilespmem:s29], [sflag:$0x1] =	stream.indirect.gather [hbm4b:s7+s28], $0x80, s2, s28, $0xb8;
	[tilespmem:$0x1D000] =	vst v63  }
0x9a: {  	_ =	swait.ge [sflag:s30], $0x4000  }
0x9b: {  	[sflag:s30] =	ssyncset.done $0x0  }
0x9c: {  	s10 =	simm.s32 $0x2800;
	[sflag:s30] =	ssyncadd.s32 $0xFFFFC000  }
0x9d: {  	[spmem:s3] =	stream.indirect.scatter.add.f32 [tilespmem:s29], [sflag:$0x2], $0x80, s10, s28, $0xb8;
	[tilespmem:$0x1D000] =	vst v63  }
0x9e: {  	_ =	swait.ge [sflag:s22], $0x4000  }
0x9f: {  	s8 =	simm.s32 $0x400;
	s2 =	simm.s32 $0x200;
	[sflag:s22] =	ssyncset.done $0x0  }
.LBB2_13:
0xa0: {  	s9 =	sshra.s32 s2, $0x2  }
0xa1: {  	[sflag:s22] =	ssyncadd.s32 $0xFFFFC000;
	s2 =	smov.u32 s8;
	s10 =	sadd.s32 $0x200, s8  }
0xa2: {  	[tilespmem:s29], [sflag:$0x1] =	stream.indirect.gather [hbm4b:s7+s28], $0x80, s9, s28, $0xb8;
	[tilespmem:$0x1D000] =	vst v63  }
0xa3: {  	p1 =	sne.s32 s8, $0x9C00;
	_ =	swait.ge [sflag:s30], $0x4000  }
.Ltmp9:
0xa4: {  	[sflag:s30] =	ssyncset.done $0x0;
	(pc) =	sbr.rel @p1 .LBB2_13-.Ltmp9, $4  }
0xa5: {  	s8 =	sadd.s32 $0x2800, s9;
	[sflag:s30] =	ssyncadd.s32 $0xFFFFC000  }
0xa6: {  	[spmem:s3] =	stream.indirect.scatter.add.f32 [tilespmem:s29], [sflag:$0x2], $0x80, s8, s28, $0xb8;
	[tilespmem:$0x1D000] =	vst v63  }
0xa7: {  	_ =	swait.ge [sflag:s22], $0x4000  }
0xa8: {  	s8 =	smov.u32 s10;
	[sflag:s22] =	ssyncset.done $0x0  }
.Ltmp10:
0xa9: {  	_ = 	snop;
	(pc) =	sbr.rel .LBB2_14-.Ltmp10, $1  }
0xaa: {  	_ =	sdelay $0x3  }
.LBB2_16:
0xab: {  	_ =	sfence.sel $0x180000  }
0xac: {  	[bflag:$0x0] =	sbarrier.arrive $0xFFFF  }
0xad: {  	_ =	strace $0x9000004A  }
0xae: {  	s0 =	stileid.u32;
	[bflag:$0x2] =	sbarrier.arrive $0xFFFF  }
0xaf: {  	p0 =	sne.s32 s0, $0x0;
	s0 =	rddreg [dreg:$0x3]  }
0xb0: {  	s0 =	sadd.s32 @!p0 $0x100000, s0  }
0xb1: {  	[sflag:s0] =	ssyncadd.tile.s32 @!p0 $0x1;
	_ =	shalt  }
.Lfunc_end2:
_tile_overlayer_lowered:
.L_overlay_start_2:
0xb2: {  	(tag) =	ssettag $0x2  }
0xb3: {  	s0 =	rddreg [dreg:$0x0];
	s2 =	stileid.u32  }
0xb4: {  	s1 =	rddreg [dreg:$0x1];
	p0 =	sne.s32 s2, $0x0  }
0xb5: {  	s3 =	rddreg [dreg:$0x2];
	[bflag:$0x3] =	sbarrier.arrive $0xFFFF;
	s2 =	simm.s32 @!p0 $0x1C02  }
0xb6: {  	[timem:s3], [sflag:s2] =	dma.local @!p0 [hbm:s0], s1  }
0xb7: {  	s0 =	simm.s32 @!p0 $0x2  }
0xb8: {  	_ =	swait.ge @!p0 [sflag:s0], s1  }
0xb9: {  	s1 =	ssub.s32 @!p0 $0x0, s1;
	[sflag:s0] =	ssyncset.done @!p0 $0x0  }
0xba: {  	[sflag:s0] =	ssyncadd.s32 @!p0 s1  }
0xbb: {  	[bflag:$0x3] =	sbarrier.arrive $0xFFFF  }
0xbc: {  	_ =	shalt  }

</sc_bundles>
